<compile_context>
chip_gen: v7x
topology: tpu7x:2x2x1
jax: 0.10.2.dev20260603
libtpu: 0.0.44.dev20260713+nightly
codegen_flags: <defaults>
</compile_context>

<pallas_src>
import functools
import math

import jax
import jax.numpy as jnp
import numpy as np
from jax import lax
from jax.experimental import pallas as pl
from jax.experimental.pallas import tpu as pltpu
from jax.experimental.pallas import tpu_sc as plsc

NUM_SPECIES = 119
MUL = 32
LMAX = 2
NUM_BASIS = 10
CUTOFF = 4.0
NUM_NEIGHBORS = 32.0

EDGE_BLK = 2000
NSH = (LMAX + 1) ** 2
FDIM = NSH * MUL

_L_OF_D = [0, 1, 1, 1, 2, 2, 2, 2, 2]


def _expansion_mats():
    T_s = np.zeros((NSH, FDIM), dtype=np.float32)
    T_x = np.zeros((MUL, FDIM), dtype=np.float32)
    T_w = np.zeros(((LMAX + 1) * MUL, FDIM), dtype=np.float32)
    for d in range(NSH):
        for m in range(MUL):
            T_s[d, d * MUL + m] = 1.0
            T_x[m, d * MUL + m] = 1.0
            T_w[_L_OF_D[d] * MUL + m, d * MUL + m] = 1.0
    return jnp.asarray(T_s), jnp.asarray(T_x), jnp.asarray(T_w)


def _edge_math_body(gsrc_ref, gdst_ref, disp_ref, cell_ref,
                    W1_ref, b1_ref, W2T_ref, b2T_ref, Ts_ref, Tx_ref,
                    msg_ref):
    gsrc = gsrc_ref[...]
    psrc = gsrc[:, 0:3]
    pdst = gdst_ref[...][:, 0:3]
    disp_frac = disp_ref[...]
    cell = cell_ref[...]

    disp = (disp_frac[:, 0:1] * cell[0, 0][None, :]
            + disp_frac[:, 1:2] * cell[0, 1][None, :]
            + disp_frac[:, 2:3] * cell[0, 2][None, :])
    ev = pdst - (psrc + disp)
    eye3 = (jax.lax.broadcasted_iota(jnp.int32, (3, 3), 0)
            == jax.lax.broadcasted_iota(jnp.int32, (3, 3), 1)
            ).astype(jnp.float32)
    evT = jax.lax.dot_general(eye3, ev, (((1,), (1,)), ((), ())),
                              preferred_element_type=jnp.float32,
                              precision=jax.lax.Precision.HIGHEST)
    x, y, z = evT[0:1], evT[1:2], evT[2:3]
    r2 = x * x + y * y + z * z
    r = jnp.sqrt(r2)
    rinv = 1.0 / (r + 1e-9)
    x, y, z = x * rinv, y * rinv, z * rinv

    c15 = math.sqrt(15.0)
    s3 = math.sqrt(3.0)
    shT = jnp.concatenate([
        jnp.ones_like(x),
        s3 * x, s3 * y, s3 * z,
        c15 * x * y,
        c15 * y * z,
        (math.sqrt(5.0) / 2.0) * (3.0 * z * z - 1.0),
        c15 * x * z,
        (c15 / 2.0) * (x * x - y * y)], axis=0)

    centers = jax.lax.broadcasted_iota(
        jnp.int32, (NUM_BASIS, 1), 0).astype(jnp.float32) * (
            CUTOFF / (NUM_BASIS - 1))
    width = CUTOFF / NUM_BASIS
    g = jnp.exp(-0.5 * ((r - centers) / width) ** 2)
    basisT = g / (jnp.sum(g, axis=0, keepdims=True) + 1e-9)

    h = jax.lax.dot_general(basisT, W1_ref[...], (((0,), (0,)), ((), ())),
                            preferred_element_type=jnp.float32,
                            precision=jax.lax.Precision.HIGHEST)
    h = h + b1_ref[...][None, :]
    h = h * jax.nn.sigmoid(h)
    wexp = h @ W2T_ref[...] + b2T_ref[...][None, :]
    shexp = jax.lax.dot_general(shT, Ts_ref[...], (((0,), (0,)), ((), ())),
                                preferred_element_type=jnp.float32,
                                precision=jax.lax.Precision.HIGHEST)
    xtile = gsrc[:, 3:3 + MUL] @ Tx_ref[...]
    msg_ref[...] = shexp * (wexp * xtile)


def _edge_messages(gsrc, gdst, disp_frac, cell, W1, b1, W2T, b2T, T_s, T_x,
                   blocks_per_batch):
    E = gsrc.shape[0]
    grid = (E // EDGE_BLK,)
    eb = lambda w: pl.BlockSpec((EDGE_BLK, w), lambda i: (i, 0))
    full = lambda a: pl.BlockSpec(a.shape, lambda i: (0,) * a.ndim)
    return pl.pallas_call(
        _edge_math_body,
        grid=grid,
        in_specs=[
            eb(48), eb(16), eb(3),
            pl.BlockSpec((1, 3, 3), lambda i: (i // blocks_per_batch, 0, 0)),
            full(W1), full(b1), full(W2T), full(b2T), full(T_s), full(T_x),
        ],
        out_specs=eb(FDIM),
        out_shape=jax.ShapeDtypeStruct((E, FDIM), jnp.float32),
    )(gsrc, gdst, disp_frac, cell, W1, b1, W2T, b2T, T_s, T_x)


PREP_BLK = 1000


def _prep_body(pos_ref, nodes_ref, Wemb_ref, tab48_ref, tab16_ref):
    pos = pos_ref[...]
    ids = nodes_ref[...]
    iota = jax.lax.broadcasted_iota(jnp.int32, (PREP_BLK, NUM_SPECIES), 1)
    onehot = (iota == ids).astype(jnp.float32)
    xfeat = onehot @ Wemb_ref[...]
    zpad = jnp.zeros((PREP_BLK, 13), dtype=jnp.float32)
    tab48_ref[...] = jnp.concatenate([pos, xfeat, zpad], axis=1)
    tab16_ref[...] = jnp.concatenate([pos, zpad], axis=1)


def _node_tables(pos, nodes, W_embed):
    N = pos.shape[0]
    return pl.pallas_call(
        _prep_body,
        grid=(N // PREP_BLK,),
        in_specs=[
            pl.BlockSpec((PREP_BLK, 3), lambda i: (i, 0)),
            pl.BlockSpec((PREP_BLK, 1), lambda i: (i, 0)),
            pl.BlockSpec(W_embed.shape, lambda i: (0, 0)),
        ],
        out_specs=[
            pl.BlockSpec((PREP_BLK, 48), lambda i: (i, 0)),
            pl.BlockSpec((PREP_BLK, 16), lambda i: (i, 0)),
        ],
        out_shape=[
            jax.ShapeDtypeStruct((N, 48), jnp.float32),
            jax.ShapeDtypeStruct((N, 16), jnp.float32),
        ],
    )(pos, nodes.reshape(N, 1), W_embed)


def _sc_edge_gather(tab48, tab16, src, dst):
    E = src.shape[0]
    nt = SC_CORES * SC_TILES
    ept = E // nt
    nch = ept // CHUNK
    assert ept % CHUNK == 0
    src3 = src.reshape(nt, nch, CHUNK)
    dst3 = dst.reshape(nt, nch, CHUNK)

    mesh = plsc.VectorSubcoreMesh(core_axis_name="c", subcore_axis_name="s")

    @functools.partial(
        pl.kernel,
        out_type=[
            jax.ShapeDtypeStruct((E, 48), jnp.float32),
            jax.ShapeDtypeStruct((E, 16), jnp.float32),
        ],
        mesh=mesh,
        scratch_types=[
            pltpu.VMEM((nch, CHUNK), jnp.int32),
            pltpu.VMEM((nch, CHUNK), jnp.int32),
            pltpu.VMEM((CHUNK, 48), jnp.float32),
            pltpu.VMEM((CHUNK, 16), jnp.float32),
            pltpu.SemaphoreType.DMA,
        ],
        compiler_params=pltpu.CompilerParams(use_tc_tiling_on_sc=False),
    )
    def gather_kernel(tab48_hbm, tab16_hbm, src_hbm, dst_hbm,
                      gsrc_hbm, gdst_hbm, isrc_v, idst_v, bs_v, bd_v, sem):
        c = lax.axis_index("c")
        s = lax.axis_index("s")
        w = s * SC_CORES + c
        pltpu.sync_copy(src_hbm.at[w], isrc_v)
        pltpu.sync_copy(dst_hbm.at[w], idst_v)
        base = w * ept

        def body(j, carry):
            pltpu.async_copy(tab48_hbm.at[isrc_v.at[j]], bs_v, sem).wait()
            pltpu.sync_copy(
                bs_v, gsrc_hbm.at[pl.ds(base + j * CHUNK, CHUNK), :])
            pltpu.async_copy(tab16_hbm.at[idst_v.at[j]], bd_v, sem).wait()
            pltpu.sync_copy(
                bd_v, gdst_hbm.at[pl.ds(base + j * CHUNK, CHUNK), :])
            return carry

        lax.fori_loop(0, nch, body, 0)

    return gather_kernel(tab48, tab16, src3, dst3)


SC_CORES = 2
SC_TILES = 16
CHUNK = 80


def _sc_segment_sum(msg, dst, N):
    E, F = msg.shape
    FH = F // SC_CORES
    ept = E // SC_TILES
    nch = ept // CHUNK
    assert ept % CHUNK == 0
    Npad = ((N + 8 * SC_TILES - 1) // (8 * SC_TILES)) * (8 * SC_TILES)
    rows = Npad // SC_TILES
    dst3 = dst.reshape(SC_TILES, nch, CHUNK)
    zeros = jnp.zeros((rows, FH), dtype=jnp.float32)

    mesh = plsc.VectorSubcoreMesh(core_axis_name="c", subcore_axis_name="s")

    @functools.partial(
        pl.kernel,
        out_type=jax.ShapeDtypeStruct((Npad, F), jnp.float32),
        mesh=mesh,
        scratch_types=[
            pltpu.VMEM((nch, CHUNK), jnp.int32),
            pltpu.VMEM((CHUNK, FH), jnp.float32),
            pltpu.VMEM_SHARED((Npad, FH), jnp.float32),
        ],
        compiler_params=pltpu.CompilerParams(use_tc_tiling_on_sc=False),
    )
    def scatter_kernel(msg_hbm, dst_hbm, zeros_hbm, out_hbm,
                       idx_v, buf_v, acc_sh):
        c = lax.axis_index("c")
        s = lax.axis_index("s")
        col0 = c * FH
        pltpu.sync_copy(zeros_hbm, acc_sh.at[pl.ds(s * rows, rows)])
        pltpu.sync_copy(dst_hbm.at[s], idx_v)
        plsc.subcore_barrier()
        base = s * ept

        def body(j, carry):
            pltpu.sync_copy(
                msg_hbm.at[pl.ds(base + j * CHUNK, CHUNK), pl.ds(col0, FH)],
                buf_v)
            pltpu.sync_copy(buf_v, acc_sh.at[idx_v.at[j]], add=True)
            return carry

        lax.fori_loop(0, nch, body, 0)
        plsc.subcore_barrier()
        pltpu.sync_copy(
            acc_sh.at[pl.ds(s * rows, rows)],
            out_hbm.at[pl.ds(s * rows, rows), pl.ds(col0, FH)])

    return scatter_kernel(msg, dst3, zeros)[:N]


NODE_BLK = 1000


def _out_transform_body(agg_ref, Wout_ref, Wgate_ref, out_ref):
    agg = agg_ref[...] * (1.0 / math.sqrt(NUM_NEIGHBORS))
    W_out = Wout_ref[...]
    s = agg[:, 0:MUL] @ W_out[0]
    gates = jax.nn.sigmoid(s @ Wgate_ref[...])
    g1, g2 = gates[:, :MUL], gates[:, MUL:]
    parts = [s * jax.nn.sigmoid(s)]
    for d in range(1, 4):
        parts.append(g1 * (agg[:, d * MUL:(d + 1) * MUL] @ W_out[1]))
    for d in range(4, 9):
        parts.append(g2 * (agg[:, d * MUL:(d + 1) * MUL] @ W_out[2]))
    out_ref[...] = jnp.concatenate(parts, axis=1)


def _out_transform(agg, W_out, W_gate):
    N, F = agg.shape
    return pl.pallas_call(
        _out_transform_body,
        grid=(N // NODE_BLK,),
        in_specs=[
            pl.BlockSpec((NODE_BLK, F), lambda i: (i, 0)),
            pl.BlockSpec(W_out.shape, lambda i: (0, 0, 0)),
            pl.BlockSpec(W_gate.shape, lambda i: (0, 0)),
        ],
        out_specs=pl.BlockSpec((NODE_BLK, F), lambda i: (i, 0)),
        out_shape=jax.ShapeDtypeStruct((N, F), jnp.float32),
    )(agg, W_out, W_gate)


def kernel(atom_xyz, atom_edges_displacement, cell, W_embed, W1, b1, W2, b2,
           W_out, W_gate, nodes, atom_edges, num_nodes, num_atom_edges):
    Bn, Np, _ = atom_xyz.shape
    Ep = atom_edges.shape[1]
    N = Bn * Np
    E = Bn * Ep

    offsets = jnp.cumsum(jnp.concatenate(
        [jnp.zeros((1,), dtype=num_nodes.dtype), num_nodes[:-1]]))
    edges = (atom_edges + offsets[:, None, None]).reshape(E, 2)
    src, dst = edges[:, 0], edges[:, 1]
    disp_frac = atom_edges_displacement.reshape(E, 3)
    pos = atom_xyz.reshape(N, 3)

    T_s, T_x, T_w = _expansion_mats()
    W2T = W2 @ T_w
    b2T = b2 @ T_w

    tab48, tab16 = _node_tables(pos, nodes, W_embed)
    gsrc, gdst = _sc_edge_gather(tab48, tab16, src, dst)
    msg = _edge_messages(gsrc, gdst, disp_frac, cell, W1, b1, W2T, b2T,
                         T_s, T_x, Ep // EDGE_BLK)
    agg = _sc_segment_sum(msg, dst, N)
    return _out_transform(agg, W_out, W_gate)

# --- scband reference (transcript-rebuilt; emitter-appended) ---
"""Pipeline reference for scband-f-nonlocal-72335839200045 (READ-ONLY COPY).

The authoritative reference and input builder live on the scoring server;
editing this copy changes nothing except your own understanding.
"""

import jax, jax.numpy as jnp
import numpy as np

NUM_SPECIES = 119
MUL = 32
LMAX = 2
NUM_BASIS = 10
CUTOFF = 4.0
NUM_NEIGHBORS = 32.0
B = 4
N_PER = 2500
E_PER = 80000


def _sph_harm(u):
    # component-normalized real spherical harmonics up to l=2 on unit vectors
    x, y, z = u[:, 0], u[:, 1], u[:, 2]
    sh0 = jnp.ones_like(x)[:, None]
    sh1 = jnp.sqrt(3.0) * u
    c = jnp.sqrt(15.0)
    sh2 = jnp.stack([
        c * x * y,
        c * y * z,
        (jnp.sqrt(5.0) / 2.0) * (3.0 * z * z - 1.0),
        c * x * z,
        (c / 2.0) * (x * x - y * y),
    ], axis=1)
    return [sh0, sh1, sh2]


def _radial_basis(r):
    centers = jnp.linspace(0.0, CUTOFF, NUM_BASIS)
    width = CUTOFF / NUM_BASIS
    g = jnp.exp(-0.5 * ((r[:, None] - centers[None, :]) / width) ** 2)
    return g / (jnp.sum(g, axis=1, keepdims=True) + 1e-9)


def setup_inputs(seed: int = 0) -> dict:
    key = jax.random.key(seed)
    ks = jax.random.split(key, 12)
    atom_xyz = jax.random.normal(ks[0], (B, N_PER, 3), dtype=jnp.float32) * 5.0
    nodes = jax.random.randint(ks[1], (B, N_PER), 0, NUM_SPECIES, dtype=jnp.int32)
    atom_edges = jax.random.randint(ks[2], (B, E_PER, 2), 0, N_PER, dtype=jnp.int32)
    atom_edges_displacement = jax.random.randint(ks[3], (B, E_PER, 3), -1, 2).astype(jnp.float32)
    cell = jnp.tile(jnp.eye(3, dtype=jnp.float32)[None] * 10.0, (B, 1, 1))
    num_nodes = jnp.full((B,), N_PER, dtype=jnp.int32)
    num_atom_edges = jnp.full((B,), E_PER, dtype=jnp.int32)
    W_embed = jax.random.normal(ks[4], (NUM_SPECIES, MUL), dtype=jnp.float32) * 0.1
    W1 = jax.random.normal(ks[5], (NUM_BASIS, 100), dtype=jnp.float32) * 0.3
    b1 = jnp.zeros((100,), dtype=jnp.float32)
    W2 = jax.random.normal(ks[6], (100, (LMAX + 1) * MUL), dtype=jnp.float32) * 0.1
    b2 = jnp.zeros(((LMAX + 1) * MUL,), dtype=jnp.float32)
    W_out = jax.random.normal(ks[7], (LMAX + 1, MUL, MUL), dtype=jnp.float32) * 0.18
    W_gate = jax.random.normal(ks[8], (MUL, 2 * MUL), dtype=jnp.float32) * 0.18
    return {
        'atom_xyz': atom_xyz,
        'atom_edges_displacement': atom_edges_displacement,
        'cell': cell,
        'W_embed': W_embed,
        'W1': W1, 'b1': b1, 'W2': W2, 'b2': b2,
        'W_out': W_out, 'W_gate': W_gate,
        'nodes': nodes,
        'atom_edges': atom_edges,
        'num_nodes': num_nodes,
        'num_atom_edges': num_atom_edges,
    }


def reference(atom_xyz, atom_edges_displacement, cell, W_embed, W1, b1, W2, b2,
              W_out, W_gate, nodes, atom_edges, num_nodes, num_atom_edges):
    Bn, Np, _ = atom_xyz.shape
    Ep = atom_edges.shape[1]
    N = Bn * Np
    E = Bn * Ep
    # batch offset for global node indexing (unpad_and_cat with full lengths == reshape)
    offsets = jnp.cumsum(jnp.concatenate([jnp.zeros((1,), dtype=num_nodes.dtype), num_nodes[:-1]]))
    edges = (atom_edges + offsets[:, None, None]).reshape(E, 2)
    disp_frac = atom_edges_displacement.reshape(E, 3)
    # repeat_interleave of cell by num_atom_edges (all equal Ep)
    cell_rep = jnp.repeat(cell, Ep, axis=0)
    displacement = jnp.einsum('ei,eij->ej', disp_frac, cell_rep)
    pos = atom_xyz.reshape(N, 3)
    src = edges[:, 0]
    dst = edges[:, 1]
    neigh_abs_pos = pos[src] + displacement
    edge_vec = pos[dst] - neigh_abs_pos
    r = jnp.linalg.norm(edge_vec, axis=1)
    u = edge_vec / (r[:, None] + 1e-9)
    shs = _sph_harm(u)
    basis = _radial_basis(r)
    # radial MLP producing per-l tensor-product weights
    h = jax.nn.silu(basis @ W1 + b1)
    w = (h @ W2 + b2).reshape(E, LMAX + 1, MUL)
    # one-hot species embedding -> scalar node features
    onehot = jax.nn.one_hot(nodes.reshape(N), NUM_SPECIES, dtype=jnp.float32)
    xfeat = onehot @ W_embed
    x_src = xfeat[src]
    outs = []
    for l in range(LMAX + 1):
        msg = shs[l][:, :, None] * (w[:, l, None, :] * x_src[:, None, :])
        agg = jax.ops.segment_sum(msg, dst, num_segments=N) / jnp.sqrt(NUM_NEIGHBORS)
        outs.append(jnp.einsum('ndm,mk->ndk', agg, W_out[l]))
    s = outs[0][:, 0, :]
    gates = jax.nn.sigmoid(s @ W_gate)
    g1, g2 = gates[:, :MUL], gates[:, MUL:]
    out = jnp.concatenate([
        jax.nn.silu(s),
        (g1[:, None, :] * outs[1]).reshape(N, 3 * MUL),
        (g2[:, None, :] * outs[2]).reshape(N, 5 * MUL),
    ], axis=1)
    return out

if __name__ == "__main__":
    import jax
    _d = setup_inputs()
    print(jax.jit(kernel)(*tuple(_d.values())))

</pallas_src>

<mosaic_0001>
#map = affine_map<(d0, d1) -> (0, 0)>
#map1 = affine_map<(d0, d1) -> (0, 0, 0)>
module attributes {stable_mosaic.version = 14 : i64} {
  func.func @scatter_kernel(%arg0: i32, %arg1: i32, %arg2: memref<320000x288xf32, #tpu.memory_space<hbm>>, %arg3: memref<16x250x80xi32, #tpu.memory_space<hbm>>, %arg4: memref<632x144xf32, #tpu.memory_space<hbm>>, %arg5: memref<10112x288xf32, #tpu.memory_space<hbm>>, %arg6: memref<250x80xi32, #tpu.memory_space<vmem>>, %arg7: memref<80x144xf32, #tpu.memory_space<vmem>>, %arg8: memref<10112x144xf32, #tpu.memory_space<vmem_shared>>) attributes {dimension_semantics = [#tpu.dimension_semantics<core_parallel>, #tpu.dimension_semantics<subcore_parallel>], iteration_bounds = array<i64: 2, 16>, scalar_prefetch = 0 : i64, scratch_operands = 3 : i64, tpu.core_type = #tpu.core_type<sc_vector_subcore>, window_params = [{transform_indices = #map}, {transform_indices = #map1}, {transform_indices = #map}, {transform_indices = #map}]} {
    %mul3A = arith.constant 144 : i32
    %mul3A_0 = arith.muli %arg0, %mul3A : i32
    %mul3A_1 = arith.constant 632 : i32
    %mul3A_2 = arith.muli %arg1, %mul3A_1 : i32
    "tpu.region"() ({
      %run_scoped3A = tpu.sem_alloc : memref<!tpu.dma_semaphore, #tpu.memory_space<semaphore_mem>>
      %dma_start3A = arith.constant 0 : i32
      %dma_start3A_15 = tpu.memref_slice %arg8[%mul3A_2, %dma_start3A] : memref<10112x144xf32, #tpu.memory_space<vmem_shared>> -> memref<632x144xf32, #tpu.memory_space<vmem_shared>>
      tpu.enqueue_dma source(%arg4 : memref<632x144xf32, #tpu.memory_space<hbm>>) target(%dma_start3A_15 : memref<632x144xf32, #tpu.memory_space<vmem_shared>>) target_semaphore(%run_scoped3A : memref<!tpu.dma_semaphore, #tpu.memory_space<semaphore_mem>>)
      %dma_wait3A = arith.constant 0 : i32
      %dma_wait3A_16 = tpu.memref_slice %arg8[%mul3A_2, %dma_wait3A] : memref<10112x144xf32, #tpu.memory_space<vmem_shared>> -> memref<632x144xf32, #tpu.memory_space<vmem_shared>>
      tpu.wait_dma2 semaphore(%run_scoped3A : memref<!tpu.dma_semaphore, #tpu.memory_space<semaphore_mem>>) src(%arg4 : memref<632x144xf32, #tpu.memory_space<hbm>>) dst(%dma_wait3A_16 : memref<632x144xf32, #tpu.memory_space<vmem_shared>>)
      tpu.yield
    }) : () -> ()
    "tpu.region"() ({
      %run_scoped3A = tpu.sem_alloc : memref<!tpu.dma_semaphore, #tpu.memory_space<semaphore_mem>>
      %dma_start3A = arith.constant 0 : i32
      %dma_start3A_15 = arith.constant 0 : i32
      %dma_start3A_16 = tpu.memref_slice %arg3[%arg1, %dma_start3A, %dma_start3A_15] : memref<16x250x80xi32, #tpu.memory_space<hbm>> -> memref<1x250x80xi32, #tpu.memory_space<hbm>>
      %dma_start3A_17 = tpu.memref_squeeze %dma_start3A_16 : memref<1x250x80xi32, #tpu.memory_space<hbm>> -> memref<250x80xi32, #tpu.memory_space<hbm>>
      %dma_start3A_18 = arith.constant 0 : i32
      %dma_start3A_19 = arith.constant 0 : i32
      %dma_start3A_20 = tpu.memref_slice %arg3[%arg1, %dma_start3A_18, %dma_start3A_19] : memref<16x250x80xi32, #tpu.memory_space<hbm>> -> memref<1x250x80xi32, #tpu.memory_space<hbm>>
      %dma_start3A_21 = tpu.memref_squeeze %dma_start3A_20 : memref<1x250x80xi32, #tpu.memory_space<hbm>> -> memref<250x80xi32, #tpu.memory_space<hbm>>
      tpu.enqueue_dma source(%dma_start3A_21 : memref<250x80xi32, #tpu.memory_space<hbm>>) target(%arg6 : memref<250x80xi32, #tpu.memory_space<vmem>>) target_semaphore(%run_scoped3A : memref<!tpu.dma_semaphore, #tpu.memory_space<semaphore_mem>>)
      %dma_wait3A = arith.constant 0 : i32
      %dma_wait3A_22 = arith.constant 0 : i32
      %dma_wait3A_23 = tpu.memref_slice %arg3[%arg1, %dma_wait3A, %dma_wait3A_22] : memref<16x250x80xi32, #tpu.memory_space<hbm>> -> memref<1x250x80xi32, #tpu.memory_space<hbm>>
      %dma_wait3A_24 = tpu.memref_squeeze %dma_wait3A_23 : memref<1x250x80xi32, #tpu.memory_space<hbm>> -> memref<250x80xi32, #tpu.memory_space<hbm>>
      %dma_wait3A_25 = arith.constant 0 : i32
      %dma_wait3A_26 = arith.constant 0 : i32
      %dma_wait3A_27 = tpu.memref_slice %arg3[%arg1, %dma_wait3A_25, %dma_wait3A_26] : memref<16x250x80xi32, #tpu.memory_space<hbm>> -> memref<1x250x80xi32, #tpu.memory_space<hbm>>
      %dma_wait3A_28 = tpu.memref_squeeze %dma_wait3A_27 : memref<1x250x80xi32, #tpu.memory_space<hbm>> -> memref<250x80xi32, #tpu.memory_space<hbm>>
      tpu.wait_dma2 semaphore(%run_scoped3A : memref<!tpu.dma_semaphore, #tpu.memory_space<semaphore_mem>>) src(%dma_wait3A_28 : memref<250x80xi32, #tpu.memory_space<hbm>>) dst(%arg6 : memref<250x80xi32, #tpu.memory_space<vmem>>)
      tpu.yield
    }) : () -> ()
    %barrier3A = arith.constant 0 : index
    tpu.barrier barrier_id(%barrier3A)
    %mul3A_3 = arith.constant 20000 : i32
    %mul3A_4 = arith.muli %arg1, %mul3A_3 : i32
    %scan3A = arith.constant 0 : i32
    %scan3A_5 = arith.constant 0 : i32
    %scan3A_6 = arith.constant 250 : i32
    %scan3A_7 = arith.addi %scan3A_5, %scan3A_6 : i32
    %scan3A_8 = arith.constant 1 : i32
    scf.for %scan3A_15 = %scan3A_5 to %scan3A_7 step %scan3A_8  : i32 {
      %mul3A_16 = arith.constant 80 : i32
      %mul3A_17 = arith.muli %scan3A_15, %mul3A_16 : i32
      %add3A = arith.addi %mul3A_4, %mul3A_17 : i32
      "tpu.region"() ({
        %run_scoped3A = tpu.sem_alloc : memref<!tpu.dma_semaphore, #tpu.memory_space<semaphore_mem>>
        %dma_start3A = tpu.memref_slice %arg2[%add3A, %mul3A_0] : memref<320000x288xf32, #tpu.memory_space<hbm>> -> memref<80x144xf32, #tpu.memory_space<hbm>>
        %dma_start3A_18 = tpu.memref_slice %arg2[%add3A, %mul3A_0] : memref<320000x288xf32, #tpu.memory_space<hbm>> -> memref<80x144xf32, #tpu.memory_space<hbm>>
        tpu.enqueue_dma source(%dma_start3A_18 : memref<80x144xf32, #tpu.memory_space<hbm>>) target(%arg7 : memref<80x144xf32, #tpu.memory_space<vmem>>) target_semaphore(%run_scoped3A : memref<!tpu.dma_semaphore, #tpu.memory_space<semaphore_mem>>)
        %dma_wait3A = tpu.memref_slice %arg2[%add3A, %mul3A_0] : memref<320000x288xf32, #tpu.memory_space<hbm>> -> memref<80x144xf32, #tpu.memory_space<hbm>>
        %dma_wait3A_19 = tpu.memref_slice %arg2[%add3A, %mul3A_0] : memref<320000x288xf32, #tpu.memory_space<hbm>> -> memref<80x144xf32, #tpu.memory_space<hbm>>
        tpu.wait_dma2 semaphore(%run_scoped3A : memref<!tpu.dma_semaphore, #tpu.memory_space<semaphore_mem>>) src(%dma_wait3A_19 : memref<80x144xf32, #tpu.memory_space<hbm>>) dst(%arg7 : memref<80x144xf32, #tpu.memory_space<vmem>>)
        tpu.yield
      }) : () -> ()
      "tpu.region"() ({
        %run_scoped3A = tpu.sem_alloc : memref<!tpu.dma_semaphore, #tpu.memory_space<semaphore_mem>>
        %dma_start3A = arith.constant 0 : i32
        %dma_start3A_18 = tpu.memref_slice %arg6[%scan3A_15, %dma_start3A] : memref<250x80xi32, #tpu.memory_space<vmem>> -> memref<1x80xi32, #tpu.memory_space<vmem>>
        %dma_start3A_19 = tpu.memref_squeeze %dma_start3A_18 : memref<1x80xi32, #tpu.memory_space<vmem>> -> memref<80xi32, #tpu.memory_space<vmem>>
        %dma_start3A_20 = arith.constant 0 : i32
        %dma_start3A_21 = arith.constant 0 : i32
        %dma_start3A_22 = tpu.memref_slice %arg8[%dma_start3A_20, %dma_start3A_21] : memref<10112x144xf32, #tpu.memory_space<vmem_shared>> -> memref<10112x144xf32, #tpu.memory_space<vmem_shared>>
        tpu.enqueue_indirect_dma source(%arg7 : memref<80x144xf32, #tpu.memory_space<vmem>>) target(%dma_start3A_22 : memref<10112x144xf32, #tpu.memory_space<vmem_shared>>) offsets(%dma_start3A_19 : memref<80xi32, #tpu.memory_space<vmem>>) semaphore(%run_scoped3A : memref<!tpu.dma_semaphore, #tpu.memory_space<semaphore_mem>>) {add = true}
        %dma_wait3A = arith.constant 0 : i32
        %dma_wait3A_23 = tpu.memref_slice %arg6[%scan3A_15, %dma_wait3A] : memref<250x80xi32, #tpu.memory_space<vmem>> -> memref<1x80xi32, #tpu.memory_space<vmem>>
        %dma_wait3A_24 = tpu.memref_squeeze %dma_wait3A_23 : memref<1x80xi32, #tpu.memory_space<vmem>> -> memref<80xi32, #tpu.memory_space<vmem>>
        %dma_wait3A_25 = arith.constant 0 : i32
        %dma_wait3A_26 = arith.constant 0 : i32
        %dma_wait3A_27 = tpu.memref_slice %arg8[%dma_wait3A_25, %dma_wait3A_26] : memref<10112x144xf32, #tpu.memory_space<vmem_shared>> -> memref<10112x144xf32, #tpu.memory_space<vmem_shared>>
        tpu.wait_indirect_dma semaphore(%run_scoped3A : memref<!tpu.dma_semaphore, #tpu.memory_space<semaphore_mem>>) src(%arg7 : memref<80x144xf32, #tpu.memory_space<vmem>>) dst(%dma_wait3A_27 : memref<10112x144xf32, #tpu.memory_space<vmem_shared>>)
        tpu.yield
      }) : () -> ()
    }
    %scan3A_9 = arith.constant 250 : i32
    %barrier3A_10 = arith.constant 0 : index
    tpu.barrier barrier_id(%barrier3A_10)
    %mul3A_11 = arith.constant 632 : i32
    %mul3A_12 = arith.muli %arg1, %mul3A_11 : i32
    %mul3A_13 = arith.constant 632 : i32
    %mul3A_14 = arith.muli %arg1, %mul3A_13 : i32
    "tpu.region"() ({
      %run_scoped3A = tpu.sem_alloc : memref<!tpu.dma_semaphore, #tpu.memory_space<semaphore_mem>>
      %dma_start3A = tpu.memref_slice %arg5[%mul3A_14, %mul3A_0] : memref<10112x288xf32, #tpu.memory_space<hbm>> -> memref<632x144xf32, #tpu.memory_space<hbm>>
      %dma_start3A_15 = arith.constant 0 : i32
      %dma_start3A_16 = tpu.memref_slice %arg8[%mul3A_12, %dma_start3A_15] : memref<10112x144xf32, #tpu.memory_space<vmem_shared>> -> memref<632x144xf32, #tpu.memory_space<vmem_shared>>
      tpu.enqueue_dma source(%dma_start3A_16 : memref<632x144xf32, #tpu.memory_space<vmem_shared>>) target(%dma_start3A : memref<632x144xf32, #tpu.memory_space<hbm>>) target_semaphore(%run_scoped3A : memref<!tpu.dma_semaphore, #tpu.memory_space<semaphore_mem>>)
      %dma_wait3A = tpu.memref_slice %arg5[%mul3A_14, %mul3A_0] : memref<10112x288xf32, #tpu.memory_space<hbm>> -> memref<632x144xf32, #tpu.memory_space<hbm>>
      %dma_wait3A_17 = arith.constant 0 : i32
      %dma_wait3A_18 = tpu.memref_slice %arg8[%mul3A_12, %dma_wait3A_17] : memref<10112x144xf32, #tpu.memory_space<vmem_shared>> -> memref<632x144xf32, #tpu.memory_space<vmem_shared>>
      tpu.wait_dma2 semaphore(%run_scoped3A : memref<!tpu.dma_semaphore, #tpu.memory_space<semaphore_mem>>) src(%dma_wait3A_18 : memref<632x144xf32, #tpu.memory_space<vmem_shared>>) dst(%dma_wait3A : memref<632x144xf32, #tpu.memory_space<hbm>>)
      tpu.yield
    }) : () -> ()
    return
  }
}

#map = affine_map<(d0, d1) -> (0, 0)>
#map1 = affine_map<(d0, d1) -> (0, 0, 0)>
module attributes {stable_mosaic.version = 14 : i64} {
  func.func @gather_kernel(%arg0: i32, %arg1: i32, %arg2: memref<10000x48xf32, #tpu.memory_space<hbm>>, %arg3: memref<10000x16xf32, #tpu.memory_space<hbm>>, %arg4: memref<32x125x80xi32, #tpu.memory_space<hbm>>, %arg5: memref<32x125x80xi32, #tpu.memory_space<hbm>>, %arg6: memref<320000x48xf32, #tpu.memory_space<hbm>>, %arg7: memref<320000x16xf32, #tpu.memory_space<hbm>>, %arg8: memref<125x80xi32, #tpu.memory_space<vmem>>, %arg9: memref<125x80xi32, #tpu.memory_space<vmem>>, %arg10: memref<80x48xf32, #tpu.memory_space<vmem>>, %arg11: memref<80x16xf32, #tpu.memory_space<vmem>>, %arg12: memref<!tpu.dma_semaphore, #tpu.memory_space<semaphore_mem>>) attributes {dimension_semantics = [#tpu.dimension_semantics<core_parallel>, #tpu.dimension_semantics<subcore_parallel>], iteration_bounds = array<i64: 2, 16>, scalar_prefetch = 0 : i64, scratch_operands = 5 : i64, tpu.core_type = #tpu.core_type<sc_vector_subcore>, window_params = [{transform_indices = #map}, {transform_indices = #map}, {transform_indices = #map1}, {transform_indices = #map1}, {transform_indices = #map}, {transform_indices = #map}]} {
    %mul3A = arith.constant 2 : i32
    %mul3A_0 = arith.muli %arg1, %mul3A : i32
    %add3A = arith.addi %mul3A_0, %arg0 : i32
    "tpu.region"() ({
      %run_scoped3A = tpu.sem_alloc : memref<!tpu.dma_semaphore, #tpu.memory_space<semaphore_mem>>
      %dma_start3A = arith.constant 0 : i32
      %dma_start3A_8 = arith.constant 0 : i32
      %dma_start3A_9 = tpu.memref_slice %arg4[%add3A, %dma_start3A, %dma_start3A_8] : memref<32x125x80xi32, #tpu.memory_space<hbm>> -> memref<1x125x80xi32, #tpu.memory_space<hbm>>
      %dma_start3A_10 = tpu.memref_squeeze %dma_start3A_9 : memref<1x125x80xi32, #tpu.memory_space<hbm>> -> memref<125x80xi32, #tpu.memory_space<hbm>>
      %dma_start3A_11 = arith.constant 0 : i32
      %dma_start3A_12 = arith.constant 0 : i32
      %dma_start3A_13 = tpu.memref_slice %arg4[%add3A, %dma_start3A_11, %dma_start3A_12] : memref<32x125x80xi32, #tpu.memory_space<hbm>> -> memref<1x125x80xi32, #tpu.memory_space<hbm>>
      %dma_start3A_14 = tpu.memref_squeeze %dma_start3A_13 : memref<1x125x80xi32, #tpu.memory_space<hbm>> -> memref<125x80xi32, #tpu.memory_space<hbm>>
      tpu.enqueue_dma source(%dma_start3A_14 : memref<125x80xi32, #tpu.memory_space<hbm>>) target(%arg8 : memref<125x80xi32, #tpu.memory_space<vmem>>) target_semaphore(%run_scoped3A : memref<!tpu.dma_semaphore, #tpu.memory_space<semaphore_mem>>)
      %dma_wait3A = arith.constant 0 : i32
      %dma_wait3A_15 = arith.constant 0 : i32
      %dma_wait3A_16 = tpu.memref_slice %arg4[%add3A, %dma_wait3A, %dma_wait3A_15] : memref<32x125x80xi32, #tpu.memory_space<hbm>> -> memref<1x125x80xi32, #tpu.memory_space<hbm>>
      %dma_wait3A_17 = tpu.memref_squeeze %dma_wait3A_16 : memref<1x125x80xi32, #tpu.memory_space<hbm>> -> memref<125x80xi32, #tpu.memory_space<hbm>>
      %dma_wait3A_18 = arith.constant 0 : i32
      %dma_wait3A_19 = arith.constant 0 : i32
      %dma_wait3A_20 = tpu.memref_slice %arg4[%add3A, %dma_wait3A_18, %dma_wait3A_19] : memref<32x125x80xi32, #tpu.memory_space<hbm>> -> memref<1x125x80xi32, #tpu.memory_space<hbm>>
      %dma_wait3A_21 = tpu.memref_squeeze %dma_wait3A_20 : memref<1x125x80xi32, #tpu.memory_space<hbm>> -> memref<125x80xi32, #tpu.memory_space<hbm>>
      tpu.wait_dma2 semaphore(%run_scoped3A : memref<!tpu.dma_semaphore, #tpu.memory_space<semaphore_mem>>) src(%dma_wait3A_21 : memref<125x80xi32, #tpu.memory_space<hbm>>) dst(%arg8 : memref<125x80xi32, #tpu.memory_space<vmem>>)
      tpu.yield
    }) : () -> ()
    "tpu.region"() ({
      %run_scoped3A = tpu.sem_alloc : memref<!tpu.dma_semaphore, #tpu.memory_space<semaphore_mem>>
      %dma_start3A = arith.constant 0 : i32
      %dma_start3A_8 = arith.constant 0 : i32
      %dma_start3A_9 = tpu.memref_slice %arg5[%add3A, %dma_start3A, %dma_start3A_8] : memref<32x125x80xi32, #tpu.memory_space<hbm>> -> memref<1x125x80xi32, #tpu.memory_space<hbm>>
      %dma_start3A_10 = tpu.memref_squeeze %dma_start3A_9 : memref<1x125x80xi32, #tpu.memory_space<hbm>> -> memref<125x80xi32, #tpu.memory_space<hbm>>
      %dma_start3A_11 = arith.constant 0 : i32
      %dma_start3A_12 = arith.constant 0 : i32
      %dma_start3A_13 = tpu.memref_slice %arg5[%add3A, %dma_start3A_11, %dma_start3A_12] : memref<32x125x80xi32, #tpu.memory_space<hbm>> -> memref<1x125x80xi32, #tpu.memory_space<hbm>>
      %dma_start3A_14 = tpu.memref_squeeze %dma_start3A_13 : memref<1x125x80xi32, #tpu.memory_space<hbm>> -> memref<125x80xi32, #tpu.memory_space<hbm>>
      tpu.enqueue_dma source(%dma_start3A_14 : memref<125x80xi32, #tpu.memory_space<hbm>>) target(%arg9 : memref<125x80xi32, #tpu.memory_space<vmem>>) target_semaphore(%run_scoped3A : memref<!tpu.dma_semaphore, #tpu.memory_space<semaphore_mem>>)
      %dma_wait3A = arith.constant 0 : i32
      %dma_wait3A_15 = arith.constant 0 : i32
      %dma_wait3A_16 = tpu.memref_slice %arg5[%add3A, %dma_wait3A, %dma_wait3A_15] : memref<32x125x80xi32, #tpu.memory_space<hbm>> -> memref<1x125x80xi32, #tpu.memory_space<hbm>>
      %dma_wait3A_17 = tpu.memref_squeeze %dma_wait3A_16 : memref<1x125x80xi32, #tpu.memory_space<hbm>> -> memref<125x80xi32, #tpu.memory_space<hbm>>
      %dma_wait3A_18 = arith.constant 0 : i32
      %dma_wait3A_19 = arith.constant 0 : i32
      %dma_wait3A_20 = tpu.memref_slice %arg5[%add3A, %dma_wait3A_18, %dma_wait3A_19] : memref<32x125x80xi32, #tpu.memory_space<hbm>> -> memref<1x125x80xi32, #tpu.memory_space<hbm>>
      %dma_wait3A_21 = tpu.memref_squeeze %dma_wait3A_20 : memref<1x125x80xi32, #tpu.memory_space<hbm>> -> memref<125x80xi32, #tpu.memory_space<hbm>>
      tpu.wait_dma2 semaphore(%run_scoped3A : memref<!tpu.dma_semaphore, #tpu.memory_space<semaphore_mem>>) src(%dma_wait3A_21 : memref<125x80xi32, #tpu.memory_space<hbm>>) dst(%arg9 : memref<125x80xi32, #tpu.memory_space<vmem>>)
      tpu.yield
    }) : () -> ()
    %mul3A_1 = arith.constant 10000 : i32
    %mul3A_2 = arith.muli %add3A, %mul3A_1 : i32
    %scan3A = arith.constant 0 : i32
    %scan3A_3 = arith.constant 0 : i32
    %scan3A_4 = arith.constant 125 : i32
    %scan3A_5 = arith.addi %scan3A_3, %scan3A_4 : i32
    %scan3A_6 = arith.constant 1 : i32
    scf.for %scan3A_8 = %scan3A_3 to %scan3A_5 step %scan3A_6  : i32 {
      %dma_start3A = arith.constant 0 : i32
      %dma_start3A_9 = tpu.memref_slice %arg8[%scan3A_8, %dma_start3A] : memref<125x80xi32, #tpu.memory_space<vmem>> -> memref<1x80xi32, #tpu.memory_space<vmem>>
      %dma_start3A_10 = tpu.memref_squeeze %dma_start3A_9 : memref<1x80xi32, #tpu.memory_space<vmem>> -> memref<80xi32, #tpu.memory_space<vmem>>
      %dma_start3A_11 = arith.constant 0 : i32
      %dma_start3A_12 = arith.constant 0 : i32
      %dma_start3A_13 = tpu.memref_slice %arg2[%dma_start3A_11, %dma_start3A_12] : memref<10000x48xf32, #tpu.memory_space<hbm>> -> memref<10000x48xf32, #tpu.memory_space<hbm>>
      tpu.enqueue_indirect_dma source(%dma_start3A_13 : memref<10000x48xf32, #tpu.memory_space<hbm>>) target(%arg10 : memref<80x48xf32, #tpu.memory_space<vmem>>) offsets(%dma_start3A_10 : memref<80xi32, #tpu.memory_space<vmem>>) semaphore(%arg12 : memref<!tpu.dma_semaphore, #tpu.memory_space<semaphore_mem>>)
      %dma_wait3A = arith.constant 0 : i32
      %dma_wait3A_14 = tpu.memref_slice %arg8[%scan3A_8, %dma_wait3A] : memref<125x80xi32, #tpu.memory_space<vmem>> -> memref<1x80xi32, #tpu.memory_space<vmem>>
      %dma_wait3A_15 = tpu.memref_squeeze %dma_wait3A_14 : memref<1x80xi32, #tpu.memory_space<vmem>> -> memref<80xi32, #tpu.memory_space<vmem>>
      %dma_wait3A_16 = arith.constant 0 : i32
      %dma_wait3A_17 = arith.constant 0 : i32
      %dma_wait3A_18 = tpu.memref_slice %arg2[%dma_wait3A_16, %dma_wait3A_17] : memref<10000x48xf32, #tpu.memory_space<hbm>> -> memref<10000x48xf32, #tpu.memory_space<hbm>>
      tpu.wait_indirect_dma semaphore(%arg12 : memref<!tpu.dma_semaphore, #tpu.memory_space<semaphore_mem>>) src(%dma_wait3A_18 : memref<10000x48xf32, #tpu.memory_space<hbm>>) dst(%arg10 : memref<80x48xf32, #tpu.memory_space<vmem>>)
      %mul3A_19 = arith.constant 80 : i32
      %mul3A_20 = arith.muli %scan3A_8, %mul3A_19 : i32
      %add3A_21 = arith.addi %mul3A_2, %mul3A_20 : i32
      "tpu.region"() ({
        %run_scoped3A = tpu.sem_alloc : memref<!tpu.dma_semaphore, #tpu.memory_space<semaphore_mem>>
        %dma_start3A_37 = arith.constant 0 : i32
        %dma_start3A_38 = tpu.memref_slice %arg6[%add3A_21, %dma_start3A_37] : memref<320000x48xf32, #tpu.memory_space<hbm>> -> memref<80x48xf32, #tpu.memory_space<hbm>>
        %dma_start3A_39 = arith.constant 0 : i32
        %dma_start3A_40 = tpu.memref_slice %arg6[%add3A_21, %dma_start3A_39] : memref<320000x48xf32, #tpu.memory_space<hbm>> -> memref<80x48xf32, #tpu.memory_space<hbm>>
        tpu.enqueue_dma source(%arg10 : memref<80x48xf32, #tpu.memory_space<vmem>>) target(%dma_start3A_40 : memref<80x48xf32, #tpu.memory_space<hbm>>) target_semaphore(%run_scoped3A : memref<!tpu.dma_semaphore, #tpu.memory_space<semaphore_mem>>)
        %dma_wait3A_41 = arith.constant 0 : i32
        %dma_wait3A_42 = tpu.memref_slice %arg6[%add3A_21, %dma_wait3A_41] : memref<320000x48xf32, #tpu.memory_space<hbm>> -> memref<80x48xf32, #tpu.memory_space<hbm>>
        %dma_wait3A_43 = arith.constant 0 : i32
        %dma_wait3A_44 = tpu.memref_slice %arg6[%add3A_21, %dma_wait3A_43] : memref<320000x48xf32, #tpu.memory_space<hbm>> -> memref<80x48xf32, #tpu.memory_space<hbm>>
        tpu.wait_dma2 semaphore(%run_scoped3A : memref<!tpu.dma_semaphore, #tpu.memory_space<semaphore_mem>>) src(%arg10 : memref<80x48xf32, #tpu.memory_space<vmem>>) dst(%dma_wait3A_44 : memref<80x48xf32, #tpu.memory_space<hbm>>)
        tpu.yield
      }) : () -> ()
      %dma_start3A_22 = arith.constant 0 : i32
      %dma_start3A_23 = tpu.memref_slice %arg9[%scan3A_8, %dma_start3A_22] : memref<125x80xi32, #tpu.memory_space<vmem>> -> memref<1x80xi32, #tpu.memory_space<vmem>>
      %dma_start3A_24 = tpu.memref_squeeze %dma_start3A_23 : memref<1x80xi32, #tpu.memory_space<vmem>> -> memref<80xi32, #tpu.memory_space<vmem>>
      %dma_start3A_25 = arith.constant 0 : i32
      %dma_start3A_26 = arith.constant 0 : i32
      %dma_start3A_27 = tpu.memref_slice %arg3[%dma_start3A_25, %dma_start3A_26] : memref<10000x16xf32, #tpu.memory_space<hbm>> -> memref<10000x16xf32, #tpu.memory_space<hbm>>
      tpu.enqueue_indirect_dma source(%dma_start3A_27 : memref<10000x16xf32, #tpu.memory_space<hbm>>) target(%arg11 : memref<80x16xf32, #tpu.memory_space<vmem>>) offsets(%dma_start3A_24 : memref<80xi32, #tpu.memory_space<vmem>>) semaphore(%arg12 : memref<!tpu.dma_semaphore, #tpu.memory_space<semaphore_mem>>)
      %dma_wait3A_28 = arith.constant 0 : i32
      %dma_wait3A_29 = tpu.memref_slice %arg9[%scan3A_8, %dma_wait3A_28] : memref<125x80xi32, #tpu.memory_space<vmem>> -> memref<1x80xi32, #tpu.memory_space<vmem>>
      %dma_wait3A_30 = tpu.memref_squeeze %dma_wait3A_29 : memref<1x80xi32, #tpu.memory_space<vmem>> -> memref<80xi32, #tpu.memory_space<vmem>>
      %dma_wait3A_31 = arith.constant 0 : i32
      %dma_wait3A_32 = arith.constant 0 : i32
      %dma_wait3A_33 = tpu.memref_slice %arg3[%dma_wait3A_31, %dma_wait3A_32] : memref<10000x16xf32, #tpu.memory_space<hbm>> -> memref<10000x16xf32, #tpu.memory_space<hbm>>
      tpu.wait_indirect_dma semaphore(%arg12 : memref<!tpu.dma_semaphore, #tpu.memory_space<semaphore_mem>>) src(%dma_wait3A_33 : memref<10000x16xf32, #tpu.memory_space<hbm>>) dst(%arg11 : memref<80x16xf32, #tpu.memory_space<vmem>>)
      %mul3A_34 = arith.constant 80 : i32
      %mul3A_35 = arith.muli %scan3A_8, %mul3A_34 : i32
      %add3A_36 = arith.addi %mul3A_2, %mul3A_35 : i32
      "tpu.region"() ({
        %run_scoped3A = tpu.sem_alloc : memref<!tpu.dma_semaphore, #tpu.memory_space<semaphore_mem>>
        %dma_start3A_37 = arith.constant 0 : i32
        %dma_start3A_38 = tpu.memref_slice %arg7[%add3A_36, %dma_start3A_37] : memref<320000x16xf32, #tpu.memory_space<hbm>> -> memref<80x16xf32, #tpu.memory_space<hbm>>
        %dma_start3A_39 = arith.constant 0 : i32
        %dma_start3A_40 = tpu.memref_slice %arg7[%add3A_36, %dma_start3A_39] : memref<320000x16xf32, #tpu.memory_space<hbm>> -> memref<80x16xf32, #tpu.memory_space<hbm>>
        tpu.enqueue_dma source(%arg11 : memref<80x16xf32, #tpu.memory_space<vmem>>) target(%dma_start3A_40 : memref<80x16xf32, #tpu.memory_space<hbm>>) target_semaphore(%run_scoped3A : memref<!tpu.dma_semaphore, #tpu.memory_space<semaphore_mem>>)
        %dma_wait3A_41 = arith.constant 0 : i32
        %dma_wait3A_42 = tpu.memref_slice %arg7[%add3A_36, %dma_wait3A_41] : memref<320000x16xf32, #tpu.memory_space<hbm>> -> memref<80x16xf32, #tpu.memory_space<hbm>>
        %dma_wait3A_43 = arith.constant 0 : i32
        %dma_wait3A_44 = tpu.memref_slice %arg7[%add3A_36, %dma_wait3A_43] : memref<320000x16xf32, #tpu.memory_space<hbm>> -> memref<80x16xf32, #tpu.memory_space<hbm>>
        tpu.wait_dma2 semaphore(%run_scoped3A : memref<!tpu.dma_semaphore, #tpu.memory_space<semaphore_mem>>) src(%arg11 : memref<80x16xf32, #tpu.memory_space<vmem>>) dst(%dma_wait3A_44 : memref<80x16xf32, #tpu.memory_space<hbm>>)
        tpu.yield
      }) : () -> ()
    }
    %scan3A_7 = arith.constant 125 : i32
    return
  }
}

module attributes {stable_mosaic.version = 14 : i64} {
  func.func @_prep_body(%arg0: i32, %arg1: memref<1000x3xf32, #tpu.memory_space<vmem>>, %arg2: memref<1000x1xi32, #tpu.memory_space<vmem>>, %arg3: memref<119x32xf32, #tpu.memory_space<vmem>>, %arg4: memref<1000x48xf32, #tpu.memory_space<vmem>>, %arg5: memref<1000x16xf32, #tpu.memory_space<vmem>>) attributes {dimension_semantics = [#tpu.dimension_semantics<arbitrary>], iteration_bounds = array<i64: 10>, scalar_prefetch = 0 : i64, scratch_operands = 0 : i64, tpu.core_type = #tpu.core_type<tc>, window_params = [{transform_indices = @transform_0, window_bounds = array<i64: 1000, 3>}, {transform_indices = @transform_1, window_bounds = array<i64: 1000, 1>}, {pipeline_mode = #tpu.pipeline_mode<synchronous>, transform_indices = @transform_2, window_bounds = array<i64: 119, 32>}, {transform_indices = @transform_3, window_bounds = array<i64: 1000, 48>}, {transform_indices = @transform_4, window_bounds = array<i64: 1000, 16>}]} {
    %get3A = arith.constant 0 : index
    %get3A_0 = arith.constant 0 : index
    %get3A_1 = vector.load %arg1[%get3A, %get3A_0] : memref<1000x3xf32, #tpu.memory_space<vmem>>, vector<1000x3xf32>
    %get3A_2 = arith.constant 0 : index
    %get3A_3 = arith.constant 0 : index
    %get3A_4 = vector.load %arg2[%get3A_2, %get3A_3] : memref<1000x1xi32, #tpu.memory_space<vmem>>, vector<1000x1xi32>
    %iota3A = tpu.iota {dimensions = array<i32: 1>} : vector<1000x119xi32>
    %eq3A = vector.broadcast %get3A_4 : vector<1000x1xi32> to vector<1000x119xi32>
    %eq3A_5 = arith.cmpi eq, %iota3A, %eq3A : vector<1000x119xi32>
    %convert_element_type3A = arith.extui %eq3A_5 : vector<1000x119xi1> to vector<1000x119xi32>
    %convert_element_type3A_6 = arith.sitofp %convert_element_type3A : vector<1000x119xi32> to vector<1000x119xf32>
    %get3A_7 = arith.constant 0 : index
    %get3A_8 = arith.constant 0 : index
    %get3A_9 = vector.load %arg3[%get3A_7, %get3A_8] : memref<119x32xf32, #tpu.memory_space<vmem>>, vector<119x32xf32>
    %dot_general3A = arith.constant dense<0.000000e+00> : vector<1000x32xf32>
    %dot_general3A_10 = tpu.matmul %convert_element_type3A_6, %get3A_9, %dot_general3A {dimension_numbers = #tpu.dot_dimension_numbers<[1], [0], [0], [1], [0, 0, 1, 1], [], []>, transpose_lhs_hint = false} : vector<1000x119xf32>, vector<119x32xf32>, vector<1000x32xf32> -> vector<1000x32xf32>
    %broadcast_in_dim3A = arith.constant 0.000000e+00 : f32
    %broadcast_in_dim3A_11 = vector.broadcast %broadcast_in_dim3A : f32 to vector<1000x13xf32>
    %concatenate3A = tpu.concatenate %get3A_1, %dot_general3A_10, %broadcast_in_dim3A_11 in 1 : vector<1000x3xf32>, vector<1000x32xf32>, vector<1000x13xf32> -> vector<1000x48xf32>
    %swap3A = arith.constant 0 : index
    %swap3A_12 = arith.constant 0 : index
    %swap3A_13 = vector.load %arg4[%swap3A, %swap3A_12] : memref<1000x48xf32, #tpu.memory_space<vmem>>, vector<1000x48xf32>
    tpu.vector_store %arg4[%swap3A, %swap3A_12], %concatenate3A {strides = array<i32>} : memref<1000x48xf32, #tpu.memory_space<vmem>>, vector<1000x48xf32>,
    %concatenate3A_14 = tpu.concatenate %get3A_1, %broadcast_in_dim3A_11 in 1 : vector<1000x3xf32>, vector<1000x13xf32> -> vector<1000x16xf32>
    %swap3A_15 = arith.constant 0 : index
    %swap3A_16 = arith.constant 0 : index
    %swap3A_17 = vector.load %arg5[%swap3A_15, %swap3A_16] : memref<1000x16xf32, #tpu.memory_space<vmem>>, vector<1000x16xf32>
    tpu.vector_store %arg5[%swap3A_15, %swap3A_16], %concatenate3A_14 {strides = array<i32>} : memref<1000x16xf32, #tpu.memory_space<vmem>>, vector<1000x16xf32>,
    return
  }
  func.func @transform_0(%arg0: i32) -> (i32, i32) {
    %c0_i32 = arith.constant 0 : i32
    %c0_i32_0 = arith.constant 0 : i32
    return %arg0, %c0_i32 : i32, i32
  }
  func.func @transform_1(%arg0: i32) -> (i32, i32) {
    %c0_i32 = arith.constant 0 : i32
    %c0_i32_0 = arith.constant 0 : i32
    return %arg0, %c0_i32 : i32, i32
  }
  func.func @transform_2(%arg0: i32) -> (i32, i32) {
    %c0_i32 = arith.constant 0 : i32
    %c0_i32_0 = arith.constant 0 : i32
    %c0_i32_1 = arith.constant 0 : i32
    return %c0_i32, %c0_i32_0 : i32, i32
  }
  func.func @transform_3(%arg0: i32) -> (i32, i32) {
    %c0_i32 = arith.constant 0 : i32
    %c0_i32_0 = arith.constant 0 : i32
    return %arg0, %c0_i32 : i32, i32
  }
  func.func @transform_4(%arg0: i32) -> (i32, i32) {
    %c0_i32 = arith.constant 0 : i32
    %c0_i32_0 = arith.constant 0 : i32
    return %arg0, %c0_i32 : i32, i32
  }
}

module attributes {stable_mosaic.version = 14 : i64} {
  func.func @_edge_math_body(%arg0: i32, %arg1: memref<2000x48xf32, #tpu.memory_space<vmem>>, %arg2: memref<2000x16xf32, #tpu.memory_space<vmem>>, %arg3: memref<2000x3xf32, #tpu.memory_space<vmem>>, %arg4: memref<1x3x3xf32, #tpu.memory_space<vmem>>, %arg5: memref<10x100xf32, #tpu.memory_space<vmem>>, %arg6: memref<100xf32, #tpu.memory_space<vmem>>, %arg7: memref<100x288xf32, #tpu.memory_space<vmem>>, %arg8: memref<288xf32, #tpu.memory_space<vmem>>, %arg9: memref<9x288xf32, #tpu.memory_space<vmem>>, %arg10: memref<32x288xf32, #tpu.memory_space<vmem>>, %arg11: memref<2000x288xf32, #tpu.memory_space<vmem>>) attributes {dimension_semantics = [#tpu.dimension_semantics<arbitrary>], iteration_bounds = array<i64: 160>, scalar_prefetch = 0 : i64, scratch_operands = 0 : i64, tpu.core_type = #tpu.core_type<tc>, window_params = [{transform_indices = @transform_0, window_bounds = array<i64: 2000, 48>}, {transform_indices = @transform_1, window_bounds = array<i64: 2000, 16>}, {transform_indices = @transform_2, window_bounds = array<i64: 2000, 3>}, {transform_indices = @transform_3, window_bounds = array<i64: 1, 3, 3>}, {pipeline_mode = #tpu.pipeline_mode<synchronous>, transform_indices = @transform_4, window_bounds = array<i64: 10, 100>}, {pipeline_mode = #tpu.pipeline_mode<synchronous>, transform_indices = @transform_5, window_bounds = array<i64: 100>}, {pipeline_mode = #tpu.pipeline_mode<synchronous>, transform_indices = @transform_6, window_bounds = array<i64: 100, 288>}, {pipeline_mode = #tpu.pipeline_mode<synchronous>, transform_indices = @transform_7, window_bounds = array<i64: 288>}, {pipeline_mode = #tpu.pipeline_mode<synchronous>, transform_indices = @transform_8, window_bounds = array<i64: 9, 288>}, {pipeline_mode = #tpu.pipeline_mode<synchronous>, transform_indices = @transform_9, window_bounds = array<i64: 32, 288>}, {transform_indices = @transform_10, window_bounds = array<i64: 2000, 288>}]} {
    %get3A = arith.constant 0 : index
    %get3A_0 = arith.constant 0 : index
    %get3A_1 = vector.load %arg1[%get3A, %get3A_0] : memref<2000x48xf32, #tpu.memory_space<vmem>>, vector<2000x48xf32>
    %slice3A = vector.extract_strided_slice %get3A_1 {offsets = [0, 0], sizes = [2000, 3], strides = [1, 1]} : vector<2000x48xf32> to vector<2000x3xf32>
    %get3A_2 = arith.constant 0 : index
    %get3A_3 = arith.constant 0 : index
    %get3A_4 = vector.load %arg2[%get3A_2, %get3A_3] : memref<2000x16xf32, #tpu.memory_space<vmem>>, vector<2000x16xf32>
    %slice3A_5 = vector.extract_strided_slice %get3A_4 {offsets = [0, 0], sizes = [2000, 3], strides = [1, 1]} : vector<2000x16xf32> to vector<2000x3xf32>
    %get3A_6 = arith.constant 0 : index
    %get3A_7 = arith.constant 0 : index
    %get3A_8 = vector.load %arg3[%get3A_6, %get3A_7] : memref<2000x3xf32, #tpu.memory_space<vmem>>, vector<2000x3xf32>
    %get3A_9 = arith.constant 0 : index
    %get3A_10 = arith.constant 0 : index
    %get3A_11 = arith.constant 0 : index
    %get3A_12 = vector.load %arg4[%get3A_9, %get3A_10, %get3A_11] : memref<1x3x3xf32, #tpu.memory_space<vmem>>, vector<1x3x3xf32>
    %slice3A_13 = vector.extract_strided_slice %get3A_8 {offsets = [0, 0], sizes = [2000, 1], strides = [1, 1]} : vector<2000x3xf32> to vector<2000x1xf32>
    %slice3A_14 = vector.extract_strided_slice %get3A_12 {offsets = [0, 0, 0], sizes = [1, 1, 3], strides = [1, 1, 1]} : vector<1x3x3xf32> to vector<1x1x3xf32>
    %squeeze3A = vector.shape_cast %slice3A_14 : vector<1x1x3xf32> to vector<3xf32>
    %broadcast_in_dim3A = vector.shape_cast %squeeze3A : vector<3xf32> to vector<1x3xf32>
    %mul3A = vector.broadcast %slice3A_13 : vector<2000x1xf32> to vector<2000x3xf32>
    %mul3A_15 = vector.broadcast %broadcast_in_dim3A : vector<1x3xf32> to vector<2000x3xf32>
    %mul3A_16 = arith.mulf %mul3A, %mul3A_15 : vector<2000x3xf32>
    %slice3A_17 = vector.extract_strided_slice %get3A_8 {offsets = [0, 1], sizes = [2000, 1], strides = [1, 1]} : vector<2000x3xf32> to vector<2000x1xf32>
    %slice3A_18 = vector.extract_strided_slice %get3A_12 {offsets = [0, 1, 0], sizes = [1, 1, 3], strides = [1, 1, 1]} : vector<1x3x3xf32> to vector<1x1x3xf32>
    %squeeze3A_19 = vector.shape_cast %slice3A_18 : vector<1x1x3xf32> to vector<3xf32>
    %broadcast_in_dim3A_20 = vector.shape_cast %squeeze3A_19 : vector<3xf32> to vector<1x3xf32>
    %mul3A_21 = vector.broadcast %slice3A_17 : vector<2000x1xf32> to vector<2000x3xf32>
    %mul3A_22 = vector.broadcast %broadcast_in_dim3A_20 : vector<1x3xf32> to vector<2000x3xf32>
    %mul3A_23 = arith.mulf %mul3A_21, %mul3A_22 : vector<2000x3xf32>
    %add3A = arith.addf %mul3A_16, %mul3A_23 : vector<2000x3xf32>
    %slice3A_24 = vector.extract_strided_slice %get3A_8 {offsets = [0, 2], sizes = [2000, 1], strides = [1, 1]} : vector<2000x3xf32> to vector<2000x1xf32>
    %slice3A_25 = vector.extract_strided_slice %get3A_12 {offsets = [0, 2, 0], sizes = [1, 1, 3], strides = [1, 1, 1]} : vector<1x3x3xf32> to vector<1x1x3xf32>
    %squeeze3A_26 = vector.shape_cast %slice3A_25 : vector<1x1x3xf32> to vector<3xf32>
    %broadcast_in_dim3A_27 = vector.shape_cast %squeeze3A_26 : vector<3xf32> to vector<1x3xf32>
    %mul3A_28 = vector.broadcast %slice3A_24 : vector<2000x1xf32> to vector<2000x3xf32>
    %mul3A_29 = vector.broadcast %broadcast_in_dim3A_27 : vector<1x3xf32> to vector<2000x3xf32>
    %mul3A_30 = arith.mulf %mul3A_28, %mul3A_29 : vector<2000x3xf32>
    %add3A_31 = arith.addf %add3A, %mul3A_30 : vector<2000x3xf32>
    %add3A_32 = arith.addf %slice3A, %add3A_31 : vector<2000x3xf32>
    %sub3A = arith.subf %slice3A_5, %add3A_32 : vector<2000x3xf32>
    %iota3A = tpu.iota {dimensions = array<i32: 0>} : vector<3x3xi32>
    %iota3A_33 = tpu.iota {dimensions = array<i32: 1>} : vector<3x3xi32>
    %eq3A = arith.cmpi eq, %iota3A, %iota3A_33 : vector<3x3xi32>
    %convert_element_type3A = arith.extui %eq3A : vector<3x3xi1> to vector<3x3xi32>
    %convert_element_type3A_34 = arith.sitofp %convert_element_type3A : vector<3x3xi32> to vector<3x3xf32>
    %dot_general3A = arith.constant dense<0.000000e+00> : vector<3x2000xf32>
    %dot_general3A_35 = tpu.matmul %convert_element_type3A_34, %sub3A, %dot_general3A {dimension_numbers = #tpu.dot_dimension_numbers<[1], [1], [0], [0], [0, 0, 1, 0], [], []>, precision = #tpu.contract_precision<fp32>, transpose_lhs_hint = false} : vector<3x3xf32>, vector<2000x3xf32>, vector<3x2000xf32> -> vector<3x2000xf32>
    %slice3A_36 = vector.extract_strided_slice %dot_general3A_35 {offsets = [0, 0], sizes = [1, 2000], strides = [1, 1]} : vector<3x2000xf32> to vector<1x2000xf32>
    %slice3A_37 = vector.extract_strided_slice %dot_general3A_35 {offsets = [1, 0], sizes = [1, 2000], strides = [1, 1]} : vector<3x2000xf32> to vector<1x2000xf32>
    %slice3A_38 = vector.extract_strided_slice %dot_general3A_35 {offsets = [2, 0], sizes = [1, 2000], strides = [1, 1]} : vector<3x2000xf32> to vector<1x2000xf32>
    %mul3A_39 = arith.mulf %slice3A_36, %slice3A_36 : vector<1x2000xf32>
    %mul3A_40 = arith.mulf %slice3A_37, %slice3A_37 : vector<1x2000xf32>
    %add3A_41 = arith.addf %mul3A_39, %mul3A_40 : vector<1x2000xf32>
    %mul3A_42 = arith.mulf %slice3A_38, %slice3A_38 : vector<1x2000xf32>
    %add3A_43 = arith.addf %add3A_41, %mul3A_42 : vector<1x2000xf32>
    %sqrt3A = math.sqrt %add3A_43 : vector<1x2000xf32>
    %add3A_44 = arith.constant 9.99999971E-10 : f32
    %add3A_45 = vector.broadcast %add3A_44 : f32 to vector<1x2000xf32>
    %add3A_46 = arith.addf %sqrt3A, %add3A_45 : vector<1x2000xf32>
    %div3A = arith.constant 1.000000e+00 : f32
    %div3A_47 = vector.broadcast %div3A : f32 to vector<1x2000xf32>
    %div3A_48 = arith.divf %div3A_47, %add3A_46 : vector<1x2000xf32>
    %mul3A_49 = arith.mulf %slice3A_36, %div3A_48 : vector<1x2000xf32>
    %mul3A_50 = arith.mulf %slice3A_37, %div3A_48 : vector<1x2000xf32>
    %mul3A_51 = arith.mulf %slice3A_38, %div3A_48 : vector<1x2000xf32>
    %broadcast_in_dim3A_52 = arith.constant 1.000000e+00 : f32
    %broadcast_in_dim3A_53 = vector.broadcast %broadcast_in_dim3A_52 : f32 to vector<1x2000xf32>
    %mul3A_54 = arith.constant 1.73205078 : f32
    %mul3A_55 = vector.broadcast %mul3A_54 : f32 to vector<1x2000xf32>
    %mul3A_56 = arith.mulf %mul3A_55, %mul3A_49 : vector<1x2000xf32>
    %mul3A_57 = arith.constant 1.73205078 : f32
    %mul3A_58 = vector.broadcast %mul3A_57 : f32 to vector<1x2000xf32>
    %mul3A_59 = arith.mulf %mul3A_58, %mul3A_50 : vector<1x2000xf32>
    %mul3A_60 = arith.constant 1.73205078 : f32
    %mul3A_61 = vector.broadcast %mul3A_60 : f32 to vector<1x2000xf32>
    %mul3A_62 = arith.mulf %mul3A_61, %mul3A_51 : vector<1x2000xf32>
    %mul3A_63 = arith.constant 3.87298346 : f32
    %mul3A_64 = vector.broadcast %mul3A_63 : f32 to vector<1x2000xf32>
    %mul3A_65 = arith.mulf %mul3A_64, %mul3A_49 : vector<1x2000xf32>
    %mul3A_66 = arith.mulf %mul3A_65, %mul3A_50 : vector<1x2000xf32>
    %mul3A_67 = arith.constant 3.87298346 : f32
    %mul3A_68 = vector.broadcast %mul3A_67 : f32 to vector<1x2000xf32>
    %mul3A_69 = arith.mulf %mul3A_68, %mul3A_50 : vector<1x2000xf32>
    %mul3A_70 = arith.mulf %mul3A_69, %mul3A_51 : vector<1x2000xf32>
    %mul3A_71 = arith.constant 3.000000e+00 : f32
    %mul3A_72 = vector.broadcast %mul3A_71 : f32 to vector<1x2000xf32>
    %mul3A_73 = arith.mulf %mul3A_72, %mul3A_51 : vector<1x2000xf32>
    %mul3A_74 = arith.mulf %mul3A_73, %mul3A_51 : vector<1x2000xf32>
    %sub3A_75 = arith.constant 1.000000e+00 : f32
    %sub3A_76 = vector.broadcast %sub3A_75 : f32 to vector<1x2000xf32>
    %sub3A_77 = arith.subf %mul3A_74, %sub3A_76 : vector<1x2000xf32>
    %mul3A_78 = arith.constant 1.11803401 : f32
    %mul3A_79 = vector.broadcast %mul3A_78 : f32 to vector<1x2000xf32>
    %mul3A_80 = arith.mulf %mul3A_79, %sub3A_77 : vector<1x2000xf32>
    %mul3A_81 = arith.constant 3.87298346 : f32
    %mul3A_82 = vector.broadcast %mul3A_81 : f32 to vector<1x2000xf32>
    %mul3A_83 = arith.mulf %mul3A_82, %mul3A_49 : vector<1x2000xf32>
    %mul3A_84 = arith.mulf %mul3A_83, %mul3A_51 : vector<1x2000xf32>
    %mul3A_85 = arith.mulf %mul3A_49, %mul3A_49 : vector<1x2000xf32>
    %mul3A_86 = arith.mulf %mul3A_50, %mul3A_50 : vector<1x2000xf32>
    %sub3A_87 = arith.subf %mul3A_85, %mul3A_86 : vector<1x2000xf32>
    %mul3A_88 = arith.constant 1.93649173 : f32
    %mul3A_89 = vector.broadcast %mul3A_88 : f32 to vector<1x2000xf32>
    %mul3A_90 = arith.mulf %mul3A_89, %sub3A_87 : vector<1x2000xf32>
    %concatenate3A = tpu.concatenate %broadcast_in_dim3A_53, %mul3A_56, %mul3A_59, %mul3A_62, %mul3A_66, %mul3A_70, %mul3A_80, %mul3A_84, %mul3A_90 in 0 : vector<1x2000xf32>, vector<1x2000xf32>, vector<1x2000xf32>, vector<1x2000xf32>, vector<1x2000xf32>, vector<1x2000xf32>, vector<1x2000xf32>, vector<1x2000xf32>, vector<1x2000xf32> -> vector<9x2000xf32>
    %iota3A_91 = tpu.iota {dimensions = array<i32: 0>} : vector<10x1xi32>
    %convert_element_type3A_92 = arith.sitofp %iota3A_91 : vector<10x1xi32> to vector<10x1xf32>
    %mul3A_93 = arith.constant 0.444444448 : f32
    %mul3A_94 = vector.broadcast %mul3A_93 : f32 to vector<10x1xf32>
    %mul3A_95 = arith.mulf %convert_element_type3A_92, %mul3A_94 : vector<10x1xf32>
    %sub3A_96 = vector.broadcast %sqrt3A : vector<1x2000xf32> to vector<10x2000xf32>
    %sub3A_97 = vector.broadcast %mul3A_95 : vector<10x1xf32> to vector<10x2000xf32>
    %sub3A_98 = arith.subf %sub3A_96, %sub3A_97 : vector<10x2000xf32>
    %div3A_99 = arith.constant 4.000000e-01 : f32
    %div3A_100 = vector.broadcast %div3A_99 : f32 to vector<10x2000xf32>
    %div3A_101 = arith.divf %sub3A_98, %div3A_100 : vector<10x2000xf32>
    %integer_pow3A = arith.mulf %div3A_101, %div3A_101 : vector<10x2000xf32>
    %mul3A_102 = arith.constant -5.000000e-01 : f32
    %mul3A_103 = vector.broadcast %mul3A_102 : f32 to vector<10x2000xf32>
    %mul3A_104 = arith.mulf %mul3A_103, %integer_pow3A : vector<10x2000xf32>
    %exp3A = math.exp %mul3A_104 : vector<10x2000xf32>
    %reduce_sum3A = arith.constant dense<0.000000e+00> : vector<2000xf32>
    %reduce_sum3A_105 = vector.multi_reduction <add>, %exp3A, %reduce_sum3A [0] : vector<10x2000xf32> to vector<2000xf32>
    %broadcast_in_dim3A_106 = vector.shape_cast %reduce_sum3A_105 : vector<2000xf32> to vector<1x2000xf32>
    %add3A_107 = arith.constant 9.99999971E-10 : f32
    %add3A_108 = vector.broadcast %add3A_107 : f32 to vector<1x2000xf32>
    %add3A_109 = arith.addf %broadcast_in_dim3A_106, %add3A_108 : vector<1x2000xf32>
    %div3A_110 = vector.broadcast %add3A_109 : vector<1x2000xf32> to vector<10x2000xf32>
    %div3A_111 = arith.divf %exp3A, %div3A_110 : vector<10x2000xf32>
    %get3A_112 = arith.constant 0 : index
    %get3A_113 = arith.constant 0 : index
    %get3A_114 = vector.load %arg5[%get3A_112, %get3A_113] : memref<10x100xf32, #tpu.memory_space<vmem>>, vector<10x100xf32>
    %dot_general3A_115 = arith.constant dense<0.000000e+00> : vector<2000x100xf32>
    %dot_general3A_116 = tpu.matmul %div3A_111, %get3A_114, %dot_general3A_115 {dimension_numbers = #tpu.dot_dimension_numbers<[0], [0], [1], [1], [0, 1, 1, 1], [], []>, precision = #tpu.contract_precision<fp32>, transpose_lhs_hint = false} : vector<10x2000xf32>, vector<10x100xf32>, vector<2000x100xf32> -> vector<2000x100xf32>
    %get3A_117 = arith.constant 0 : index
    %get3A_118 = vector.load %arg6[%get3A_117] : memref<100xf32, #tpu.memory_space<vmem>>, vector<100xf32>
    %broadcast_in_dim3A_119 = vector.shape_cast %get3A_118 : vector<100xf32> to vector<1x100xf32>
    %add3A_120 = vector.broadcast %broadcast_in_dim3A_119 : vector<1x100xf32> to vector<2000x100xf32>
    %add3A_121 = arith.addf %dot_general3A_116, %add3A_120 : vector<2000x100xf32>
    %logistic3A = arith.negf %add3A_121 : vector<2000x100xf32>
    %logistic3A_122 = math.exp %logistic3A : vector<2000x100xf32>
    %logistic3A_123 = arith.constant 1.000000e+00 : f32
    %logistic3A_124 = vector.broadcast %logistic3A_123 : f32 to vector<2000x100xf32>
    %logistic3A_125 = arith.addf %logistic3A_124, %logistic3A_122 : vector<2000x100xf32>
    %logistic3A_126 = arith.divf %logistic3A_124, %logistic3A_125 : vector<2000x100xf32>
    %mul3A_127 = arith.mulf %add3A_121, %logistic3A_126 : vector<2000x100xf32>
    %get3A_128 = arith.constant 0 : index
    %get3A_129 = arith.constant 0 : index
    %get3A_130 = vector.load %arg7[%get3A_128, %get3A_129] : memref<100x288xf32, #tpu.memory_space<vmem>>, vector<100x288xf32>
    %dot_general3A_131 = arith.constant dense<0.000000e+00> : vector<2000x288xf32>
    %dot_general3A_132 = tpu.matmul %mul3A_127, %get3A_130, %dot_general3A_131 {dimension_numbers = #tpu.dot_dimension_numbers<[1], [0], [0], [1], [0, 0, 1, 1], [], []>, transpose_lhs_hint = false} : vector<2000x100xf32>, vector<100x288xf32>, vector<2000x288xf32> -> vector<2000x288xf32>
    %get3A_133 = arith.constant 0 : index
    %get3A_134 = vector.load %arg8[%get3A_133] : memref<288xf32, #tpu.memory_space<vmem>>, vector<288xf32>
    %broadcast_in_dim3A_135 = vector.shape_cast %get3A_134 : vector<288xf32> to vector<1x288xf32>
    %add3A_136 = vector.broadcast %broadcast_in_dim3A_135 : vector<1x288xf32> to vector<2000x288xf32>
    %add3A_137 = arith.addf %dot_general3A_132, %add3A_136 : vector<2000x288xf32>
    %get3A_138 = arith.constant 0 : index
    %get3A_139 = arith.constant 0 : index
    %get3A_140 = vector.load %arg9[%get3A_138, %get3A_139] : memref<9x288xf32, #tpu.memory_space<vmem>>, vector<9x288xf32>
    %dot_general3A_141 = arith.constant dense<0.000000e+00> : vector<2000x288xf32>
    %dot_general3A_142 = tpu.matmul %concatenate3A, %get3A_140, %dot_general3A_141 {dimension_numbers = #tpu.dot_dimension_numbers<[0], [0], [1], [1], [0, 1, 1, 1], [], []>, precision = #tpu.contract_precision<fp32>, transpose_lhs_hint = false} : vector<9x2000xf32>, vector<9x288xf32>, vector<2000x288xf32> -> vector<2000x288xf32>
    %slice3A_143 = vector.extract_strided_slice %get3A_1 {offsets = [0, 3], sizes = [2000, 32], strides = [1, 1]} : vector<2000x48xf32> to vector<2000x32xf32>
    %get3A_144 = arith.constant 0 : index
    %get3A_145 = arith.constant 0 : index
    %get3A_146 = vector.load %arg10[%get3A_144, %get3A_145] : memref<32x288xf32, #tpu.memory_space<vmem>>, vector<32x288xf32>
    %dot_general3A_147 = arith.constant dense<0.000000e+00> : vector<2000x288xf32>
    %dot_general3A_148 = tpu.matmul %slice3A_143, %get3A_146, %dot_general3A_147 {dimension_numbers = #tpu.dot_dimension_numbers<[1], [0], [0], [1], [0, 0, 1, 1], [], []>, transpose_lhs_hint = false} : vector<2000x32xf32>, vector<32x288xf32>, vector<2000x288xf32> -> vector<2000x288xf32>
    %mul3A_149 = arith.mulf %add3A_137, %dot_general3A_148 : vector<2000x288xf32>
    %mul3A_150 = arith.mulf %dot_general3A_142, %mul3A_149 : vector<2000x288xf32>
    %swap3A = arith.constant 0 : index
    %swap3A_151 = arith.constant 0 : index
    %swap3A_152 = vector.load %arg11[%swap3A, %swap3A_151] : memref<2000x288xf32, #tpu.memory_space<vmem>>, vector<2000x288xf32>
    tpu.vector_store %arg11[%swap3A, %swap3A_151], %mul3A_150 {strides = array<i32>} : memref<2000x288xf32, #tpu.memory_space<vmem>>, vector<2000x288xf32>,
    return
  }
  func.func @transform_0(%arg0: i32) -> (i32, i32) {
    %c0_i32 = arith.constant 0 : i32
    %c0_i32_0 = arith.constant 0 : i32
    return %arg0, %c0_i32 : i32, i32
  }
  func.func @transform_1(%arg0: i32) -> (i32, i32) {
    %c0_i32 = arith.constant 0 : i32
    %c0_i32_0 = arith.constant 0 : i32
    return %arg0, %c0_i32 : i32, i32
  }
  func.func @transform_2(%arg0: i32) -> (i32, i32) {
    %c0_i32 = arith.constant 0 : i32
    %c0_i32_0 = arith.constant 0 : i32
    return %arg0, %c0_i32 : i32, i32
  }
  func.func @transform_3(%arg0: i32) -> (i32, i32, i32) {
    %jit3A = arith.constant 40 : i32
    %div3A = arith.divsi %arg0, %jit3A : i32
    %sign3A = arith.constant 0 : i32
    %sign3A_0 = arith.cmpi sgt, %arg0, %sign3A : i32
    %sign3A_1 = arith.extui %sign3A_0 : i1 to i32
    %sign3A_2 = arith.constant 0 : i32
    %sign3A_3 = arith.cmpi slt, %arg0, %sign3A_2 : i32
    %sign3A_4 = arith.extui %sign3A_3 : i1 to i32
    %sign3A_5 = arith.subi %sign3A_1, %sign3A_4 : i32
    %sign3A_6 = arith.constant 0 : i32
    %sign3A_7 = arith.cmpi sgt, %jit3A, %sign3A_6 : i32
    %sign3A_8 = arith.extui %sign3A_7 : i1 to i32
    %sign3A_9 = arith.constant 0 : i32
    %sign3A_10 = arith.cmpi slt, %jit3A, %sign3A_9 : i32
    %sign3A_11 = arith.extui %sign3A_10 : i1 to i32
    %sign3A_12 = arith.subi %sign3A_8, %sign3A_11 : i32
    %ne3A = arith.cmpi ne, %sign3A_5, %sign3A_12 : i32
    %rem3A = arith.remsi %arg0, %jit3A : i32
    %ne3A_13 = arith.constant 0 : i32
    %ne3A_14 = arith.cmpi ne, %rem3A, %ne3A_13 : i32
    %and3A = arith.andi %ne3A, %ne3A_14 : i1
    %sub3A = arith.constant 1 : i32
    %sub3A_15 = arith.subi %div3A, %sub3A : i32
    %select_n3A = arith.select %and3A, %sub3A_15, %div3A : i32
    %c0_i32 = arith.constant 0 : i32
    %c0_i32_16 = arith.constant 0 : i32
    %c0_i32_17 = arith.constant 0 : i32
    return %select_n3A, %c0_i32, %c0_i32_16 : i32, i32, i32
  }
  func.func @transform_4(%arg0: i32) -> (i32, i32) {
    %c0_i32 = arith.constant 0 : i32
    %c0_i32_0 = arith.constant 0 : i32
    %c0_i32_1 = arith.constant 0 : i32
    return %c0_i32, %c0_i32_0 : i32, i32
  }
  func.func @transform_5(%arg0: i32) -> i32 {
    %c0_i32 = arith.constant 0 : i32
    %c0_i32_0 = arith.constant 0 : i32
    return %c0_i32 : i32
  }
  func.func @transform_6(%arg0: i32) -> (i32, i32) {
    %c0_i32 = arith.constant 0 : i32
    %c0_i32_0 = arith.constant 0 : i32
    %c0_i32_1 = arith.constant 0 : i32
    return %c0_i32, %c0_i32_0 : i32, i32
  }
  func.func @transform_7(%arg0: i32) -> i32 {
    %c0_i32 = arith.constant 0 : i32
    %c0_i32_0 = arith.constant 0 : i32
    return %c0_i32 : i32
  }
  func.func @transform_8(%arg0: i32) -> (i32, i32) {
    %c0_i32 = arith.constant 0 : i32
    %c0_i32_0 = arith.constant 0 : i32
    %c0_i32_1 = arith.constant 0 : i32
    return %c0_i32, %c0_i32_0 : i32, i32
  }
  func.func @transform_9(%arg0: i32) -> (i32, i32) {
    %c0_i32 = arith.constant 0 : i32
    %c0_i32_0 = arith.constant 0 : i32
    %c0_i32_1 = arith.constant 0 : i32
    return %c0_i32, %c0_i32_0 : i32, i32
  }
  func.func @transform_10(%arg0: i32) -> (i32, i32) {
    %c0_i32 = arith.constant 0 : i32
    %c0_i32_0 = arith.constant 0 : i32
    return %arg0, %c0_i32 : i32, i32
  }
}

module attributes {stable_mosaic.version = 14 : i64} {
  func.func @_out_transform_body(%arg0: i32, %arg1: memref<1000x288xf32, #tpu.memory_space<vmem>>, %arg2: memref<3x32x32xf32, #tpu.memory_space<vmem>>, %arg3: memref<32x64xf32, #tpu.memory_space<vmem>>, %arg4: memref<1000x288xf32, #tpu.memory_space<vmem>>) attributes {dimension_semantics = [#tpu.dimension_semantics<arbitrary>], iteration_bounds = array<i64: 10>, scalar_prefetch = 0 : i64, scratch_operands = 0 : i64, tpu.core_type = #tpu.core_type<tc>, window_params = [{transform_indices = @transform_0, window_bounds = array<i64: 1000, 288>}, {pipeline_mode = #tpu.pipeline_mode<synchronous>, transform_indices = @transform_1, window_bounds = array<i64: 3, 32, 32>}, {pipeline_mode = #tpu.pipeline_mode<synchronous>, transform_indices = @transform_2, window_bounds = array<i64: 32, 64>}, {transform_indices = @transform_3, window_bounds = array<i64: 1000, 288>}]} {
    %get3A = arith.constant 0 : index
    %get3A_0 = arith.constant 0 : index
    %get3A_1 = vector.load %arg1[%get3A, %get3A_0] : memref<1000x288xf32, #tpu.memory_space<vmem>>, vector<1000x288xf32>
    %mul3A = arith.constant 0.176776692 : f32
    %mul3A_2 = vector.broadcast %mul3A : f32 to vector<1000x288xf32>
    %mul3A_3 = arith.mulf %get3A_1, %mul3A_2 : vector<1000x288xf32>
    %get3A_4 = arith.constant 0 : index
    %get3A_5 = arith.constant 0 : index
    %get3A_6 = arith.constant 0 : index
    %get3A_7 = vector.load %arg2[%get3A_4, %get3A_5, %get3A_6] : memref<3x32x32xf32, #tpu.memory_space<vmem>>, vector<3x32x32xf32>
    %slice3A = vector.extract_strided_slice %mul3A_3 {offsets = [0, 0], sizes = [1000, 32], strides = [1, 1]} : vector<1000x288xf32> to vector<1000x32xf32>
    %slice3A_8 = vector.extract_strided_slice %get3A_7 {offsets = [0, 0, 0], sizes = [1, 32, 32], strides = [1, 1, 1]} : vector<3x32x32xf32> to vector<1x32x32xf32>
    %squeeze3A = vector.shape_cast %slice3A_8 : vector<1x32x32xf32> to vector<32x32xf32>
    %dot_general3A = arith.constant dense<0.000000e+00> : vector<1000x32xf32>
    %dot_general3A_9 = tpu.matmul %slice3A, %squeeze3A, %dot_general3A {dimension_numbers = #tpu.dot_dimension_numbers<[1], [0], [0], [1], [0, 0, 1, 1], [], []>, transpose_lhs_hint = false} : vector<1000x32xf32>, vector<32x32xf32>, vector<1000x32xf32> -> vector<1000x32xf32>
    %get3A_10 = arith.constant 0 : index
    %get3A_11 = arith.constant 0 : index
    %get3A_12 = vector.load %arg3[%get3A_10, %get3A_11] : memref<32x64xf32, #tpu.memory_space<vmem>>, vector<32x64xf32>
    %dot_general3A_13 = arith.constant dense<0.000000e+00> : vector<1000x64xf32>
    %dot_general3A_14 = tpu.matmul %dot_general3A_9, %get3A_12, %dot_general3A_13 {dimension_numbers = #tpu.dot_dimension_numbers<[1], [0], [0], [1], [0, 0, 1, 1], [], []>, transpose_lhs_hint = false} : vector<1000x32xf32>, vector<32x64xf32>, vector<1000x64xf32> -> vector<1000x64xf32>
    %logistic3A = arith.negf %dot_general3A_14 : vector<1000x64xf32>
    %logistic3A_15 = math.exp %logistic3A : vector<1000x64xf32>
    %logistic3A_16 = arith.constant 1.000000e+00 : f32
    %logistic3A_17 = vector.broadcast %logistic3A_16 : f32 to vector<1000x64xf32>
    %logistic3A_18 = arith.addf %logistic3A_17, %logistic3A_15 : vector<1000x64xf32>
    %logistic3A_19 = arith.divf %logistic3A_17, %logistic3A_18 : vector<1000x64xf32>
    %slice3A_20 = vector.extract_strided_slice %logistic3A_19 {offsets = [0, 0], sizes = [1000, 32], strides = [1, 1]} : vector<1000x64xf32> to vector<1000x32xf32>
    %slice3A_21 = vector.extract_strided_slice %logistic3A_19 {offsets = [0, 32], sizes = [1000, 32], strides = [1, 1]} : vector<1000x64xf32> to vector<1000x32xf32>
    %logistic3A_22 = arith.negf %dot_general3A_9 : vector<1000x32xf32>
    %logistic3A_23 = math.exp %logistic3A_22 : vector<1000x32xf32>
    %logistic3A_24 = arith.constant 1.000000e+00 : f32
    %logistic3A_25 = vector.broadcast %logistic3A_24 : f32 to vector<1000x32xf32>
    %logistic3A_26 = arith.addf %logistic3A_25, %logistic3A_23 : vector<1000x32xf32>
    %logistic3A_27 = arith.divf %logistic3A_25, %logistic3A_26 : vector<1000x32xf32>
    %mul3A_28 = arith.mulf %dot_general3A_9, %logistic3A_27 : vector<1000x32xf32>
    %slice3A_29 = vector.extract_strided_slice %mul3A_3 {offsets = [0, 32], sizes = [1000, 32], strides = [1, 1]} : vector<1000x288xf32> to vector<1000x32xf32>
    %slice3A_30 = vector.extract_strided_slice %get3A_7 {offsets = [1, 0, 0], sizes = [1, 32, 32], strides = [1, 1, 1]} : vector<3x32x32xf32> to vector<1x32x32xf32>
    %squeeze3A_31 = vector.shape_cast %slice3A_30 : vector<1x32x32xf32> to vector<32x32xf32>
    %dot_general3A_32 = arith.constant dense<0.000000e+00> : vector<1000x32xf32>
    %dot_general3A_33 = tpu.matmul %slice3A_29, %squeeze3A_31, %dot_general3A_32 {dimension_numbers = #tpu.dot_dimension_numbers<[1], [0], [0], [1], [0, 0, 1, 1], [], []>, transpose_lhs_hint = false} : vector<1000x32xf32>, vector<32x32xf32>, vector<1000x32xf32> -> vector<1000x32xf32>
    %mul3A_34 = arith.mulf %slice3A_20, %dot_general3A_33 : vector<1000x32xf32>
    %slice3A_35 = vector.extract_strided_slice %mul3A_3 {offsets = [0, 64], sizes = [1000, 32], strides = [1, 1]} : vector<1000x288xf32> to vector<1000x32xf32>
    %slice3A_36 = vector.extract_strided_slice %get3A_7 {offsets = [1, 0, 0], sizes = [1, 32, 32], strides = [1, 1, 1]} : vector<3x32x32xf32> to vector<1x32x32xf32>
    %squeeze3A_37 = vector.shape_cast %slice3A_36 : vector<1x32x32xf32> to vector<32x32xf32>
    %dot_general3A_38 = arith.constant dense<0.000000e+00> : vector<1000x32xf32>
    %dot_general3A_39 = tpu.matmul %slice3A_35, %squeeze3A_37, %dot_general3A_38 {dimension_numbers = #tpu.dot_dimension_numbers<[1], [0], [0], [1], [0, 0, 1, 1], [], []>, transpose_lhs_hint = false} : vector<1000x32xf32>, vector<32x32xf32>, vector<1000x32xf32> -> vector<1000x32xf32>
    %mul3A_40 = arith.mulf %slice3A_20, %dot_general3A_39 : vector<1000x32xf32>
    %slice3A_41 = vector.extract_strided_slice %mul3A_3 {offsets = [0, 96], sizes = [1000, 32], strides = [1, 1]} : vector<1000x288xf32> to vector<1000x32xf32>
    %slice3A_42 = vector.extract_strided_slice %get3A_7 {offsets = [1, 0, 0], sizes = [1, 32, 32], strides = [1, 1, 1]} : vector<3x32x32xf32> to vector<1x32x32xf32>
    %squeeze3A_43 = vector.shape_cast %slice3A_42 : vector<1x32x32xf32> to vector<32x32xf32>
    %dot_general3A_44 = arith.constant dense<0.000000e+00> : vector<1000x32xf32>
    %dot_general3A_45 = tpu.matmul %slice3A_41, %squeeze3A_43, %dot_general3A_44 {dimension_numbers = #tpu.dot_dimension_numbers<[1], [0], [0], [1], [0, 0, 1, 1], [], []>, transpose_lhs_hint = false} : vector<1000x32xf32>, vector<32x32xf32>, vector<1000x32xf32> -> vector<1000x32xf32>
    %mul3A_46 = arith.mulf %slice3A_20, %dot_general3A_45 : vector<1000x32xf32>
    %slice3A_47 = vector.extract_strided_slice %mul3A_3 {offsets = [0, 128], sizes = [1000, 32], strides = [1, 1]} : vector<1000x288xf32> to vector<1000x32xf32>
    %slice3A_48 = vector.extract_strided_slice %get3A_7 {offsets = [2, 0, 0], sizes = [1, 32, 32], strides = [1, 1, 1]} : vector<3x32x32xf32> to vector<1x32x32xf32>
    %squeeze3A_49 = vector.shape_cast %slice3A_48 : vector<1x32x32xf32> to vector<32x32xf32>
    %dot_general3A_50 = arith.constant dense<0.000000e+00> : vector<1000x32xf32>
    %dot_general3A_51 = tpu.matmul %slice3A_47, %squeeze3A_49, %dot_general3A_50 {dimension_numbers = #tpu.dot_dimension_numbers<[1], [0], [0], [1], [0, 0, 1, 1], [], []>, transpose_lhs_hint = false} : vector<1000x32xf32>, vector<32x32xf32>, vector<1000x32xf32> -> vector<1000x32xf32>
    %mul3A_52 = arith.mulf %slice3A_21, %dot_general3A_51 : vector<1000x32xf32>
    %slice3A_53 = vector.extract_strided_slice %mul3A_3 {offsets = [0, 160], sizes = [1000, 32], strides = [1, 1]} : vector<1000x288xf32> to vector<1000x32xf32>
    %slice3A_54 = vector.extract_strided_slice %get3A_7 {offsets = [2, 0, 0], sizes = [1, 32, 32], strides = [1, 1, 1]} : vector<3x32x32xf32> to vector<1x32x32xf32>
    %squeeze3A_55 = vector.shape_cast %slice3A_54 : vector<1x32x32xf32> to vector<32x32xf32>
    %dot_general3A_56 = arith.constant dense<0.000000e+00> : vector<1000x32xf32>
    %dot_general3A_57 = tpu.matmul %slice3A_53, %squeeze3A_55, %dot_general3A_56 {dimension_numbers = #tpu.dot_dimension_numbers<[1], [0], [0], [1], [0, 0, 1, 1], [], []>, transpose_lhs_hint = false} : vector<1000x32xf32>, vector<32x32xf32>, vector<1000x32xf32> -> vector<1000x32xf32>
    %mul3A_58 = arith.mulf %slice3A_21, %dot_general3A_57 : vector<1000x32xf32>
    %slice3A_59 = vector.extract_strided_slice %mul3A_3 {offsets = [0, 192], sizes = [1000, 32], strides = [1, 1]} : vector<1000x288xf32> to vector<1000x32xf32>
    %slice3A_60 = vector.extract_strided_slice %get3A_7 {offsets = [2, 0, 0], sizes = [1, 32, 32], strides = [1, 1, 1]} : vector<3x32x32xf32> to vector<1x32x32xf32>
    %squeeze3A_61 = vector.shape_cast %slice3A_60 : vector<1x32x32xf32> to vector<32x32xf32>
    %dot_general3A_62 = arith.constant dense<0.000000e+00> : vector<1000x32xf32>
    %dot_general3A_63 = tpu.matmul %slice3A_59, %squeeze3A_61, %dot_general3A_62 {dimension_numbers = #tpu.dot_dimension_numbers<[1], [0], [0], [1], [0, 0, 1, 1], [], []>, transpose_lhs_hint = false} : vector<1000x32xf32>, vector<32x32xf32>, vector<1000x32xf32> -> vector<1000x32xf32>
    %mul3A_64 = arith.mulf %slice3A_21, %dot_general3A_63 : vector<1000x32xf32>
    %slice3A_65 = vector.extract_strided_slice %mul3A_3 {offsets = [0, 224], sizes = [1000, 32], strides = [1, 1]} : vector<1000x288xf32> to vector<1000x32xf32>
    %slice3A_66 = vector.extract_strided_slice %get3A_7 {offsets = [2, 0, 0], sizes = [1, 32, 32], strides = [1, 1, 1]} : vector<3x32x32xf32> to vector<1x32x32xf32>
    %squeeze3A_67 = vector.shape_cast %slice3A_66 : vector<1x32x32xf32> to vector<32x32xf32>
    %dot_general3A_68 = arith.constant dense<0.000000e+00> : vector<1000x32xf32>
    %dot_general3A_69 = tpu.matmul %slice3A_65, %squeeze3A_67, %dot_general3A_68 {dimension_numbers = #tpu.dot_dimension_numbers<[1], [0], [0], [1], [0, 0, 1, 1], [], []>, transpose_lhs_hint = false} : vector<1000x32xf32>, vector<32x32xf32>, vector<1000x32xf32> -> vector<1000x32xf32>
    %mul3A_70 = arith.mulf %slice3A_21, %dot_general3A_69 : vector<1000x32xf32>
    %slice3A_71 = vector.extract_strided_slice %mul3A_3 {offsets = [0, 256], sizes = [1000, 32], strides = [1, 1]} : vector<1000x288xf32> to vector<1000x32xf32>
    %slice3A_72 = vector.extract_strided_slice %get3A_7 {offsets = [2, 0, 0], sizes = [1, 32, 32], strides = [1, 1, 1]} : vector<3x32x32xf32> to vector<1x32x32xf32>
    %squeeze3A_73 = vector.shape_cast %slice3A_72 : vector<1x32x32xf32> to vector<32x32xf32>
    %dot_general3A_74 = arith.constant dense<0.000000e+00> : vector<1000x32xf32>
    %dot_general3A_75 = tpu.matmul %slice3A_71, %squeeze3A_73, %dot_general3A_74 {dimension_numbers = #tpu.dot_dimension_numbers<[1], [0], [0], [1], [0, 0, 1, 1], [], []>, transpose_lhs_hint = false} : vector<1000x32xf32>, vector<32x32xf32>, vector<1000x32xf32> -> vector<1000x32xf32>
    %mul3A_76 = arith.mulf %slice3A_21, %dot_general3A_75 : vector<1000x32xf32>
    %concatenate3A = tpu.concatenate %mul3A_28, %mul3A_34, %mul3A_40, %mul3A_46, %mul3A_52, %mul3A_58, %mul3A_64, %mul3A_70, %mul3A_76 in 1 : vector<1000x32xf32>, vector<1000x32xf32>, vector<1000x32xf32>, vector<1000x32xf32>, vector<1000x32xf32>, vector<1000x32xf32>, vector<1000x32xf32>, vector<1000x32xf32>, vector<1000x32xf32> -> vector<1000x288xf32>
    %swap3A = arith.constant 0 : index
    %swap3A_77 = arith.constant 0 : index
    %swap3A_78 = vector.load %arg4[%swap3A, %swap3A_77] : memref<1000x288xf32, #tpu.memory_space<vmem>>, vector<1000x288xf32>
    tpu.vector_store %arg4[%swap3A, %swap3A_77], %concatenate3A {strides = array<i32>} : memref<1000x288xf32, #tpu.memory_space<vmem>>, vector<1000x288xf32>,
    return
  }
  func.func @transform_0(%arg0: i32) -> (i32, i32) {
    %c0_i32 = arith.constant 0 : i32
    %c0_i32_0 = arith.constant 0 : i32
    return %arg0, %c0_i32 : i32, i32
  }
  func.func @transform_1(%arg0: i32) -> (i32, i32, i32) {
    %c0_i32 = arith.constant 0 : i32
    %c0_i32_0 = arith.constant 0 : i32
    %c0_i32_1 = arith.constant 0 : i32
    %c0_i32_2 = arith.constant 0 : i32
    return %c0_i32, %c0_i32_0, %c0_i32_1 : i32, i32, i32
  }
  func.func @transform_2(%arg0: i32) -> (i32, i32) {
    %c0_i32 = arith.constant 0 : i32
    %c0_i32_0 = arith.constant 0 : i32
    %c0_i32_1 = arith.constant 0 : i32
    return %c0_i32, %c0_i32_0 : i32, i32
  }
  func.func @transform_3(%arg0: i32) -> (i32, i32) {
    %c0_i32 = arith.constant 0 : i32
    %c0_i32_0 = arith.constant 0 : i32
    return %arg0, %c0_i32 : i32, i32
  }
}

</mosaic_0001>

<sc_bundles>
// kernel: kernel.10.cloned.1.call-start
scs
__scs_entry_jumppad:
0x0: {  	(pc) =	sbr.rel $0x88, $3  }
0x1: {  	(tag) =	ssettag $0x0;
	lr =	simm.s32 $0x1  }
0x2: {  	[smem:$0x3F94] =	sst lr;
	_ =	strace $0xD0000000  }
0x3: {  	_ = 	snop  }
0x4: {  	_ = 	snop  }
0x5: {  	_ = 	snop  }
0x6: {  	_ = 	snop  }
0x7: {  	_ = 	snop  }
__scs_overlays_trampoline_lowered:
0x8: {  	[smem:$0x3FA3] =	sst s0  }
0x9: {  	[smem:$0x3FA4] =	sst s1  }
0xa: {  	[smem:$0x3FA5] =	sst s2  }
0xb: {  	[smem:$0x3FA6] =	sst s3  }
0xc: {  	[smem:$0x3FA7] =	sst s4  }
0xd: {  	[smem:$0x3FA8] =	sst s5  }
0xe: {  	[smem:$0x3FA9] =	sst s6  }
0xf: {  	[smem:$0x3FAA] =	sst s7  }
0x10: {  	[smem:$0x3FAB] =	sst s8  }
0x11: {  	[smem:$0x3FAC] =	sst s9;
	s0 =	simm.s32 @!p0 $0x0  }
0x12: {  	s1 =	sld [smem:$0x3F92];
	s0 =	simm.s32 @p0 $0x1  }
0x13: {  	[smem:$0x3FAD] =	sst s0;
	s0 =	simm.s32 @!p1 $0x0  }
0x14: {  	s2 =	sld [smem:$0x3F91];
	s0 =	simm.s32 @p1 $0x1  }
0x15: {  	[smem:$0x3FAE] =	sst s0;
	s0 =	simm.s32 @!p2 $0x0  }
0x16: {  	s3 =	sld [smem:$0x3FDB];
	s0 =	simm.s32 @p2 $0x1  }
0x17: {  	s4 =	simm.s32 $0x1BF5;
	[smem:$0x3FB0] =	sst s0  }
0x18: {  	s0 =	sld [smem:$0x3F93];
	_ =	swait.ge [sflag:s4], $0x0  }
0x19: {  	s7 =	sld [smem:$0x3F94]  }
0x1a: {  	s8 =	sadd.s32 $0xFFFFE003, lr  }
0x1b: {  	s9 =	sadd.s32 $0xFFFFFEF7, lr;
	s5 =	simm.s32 $0xFFFFFFFF;
	p2 =	slt.u32 s8, $0xFFFFF086  }
0x1c: {  	p1 =	slt.u32 s9, $0xF7A;
	s5 =	simm.s32 @!p2 $0x0  }
0x1d: {  	s5 =	simm.s32 @p1 $0x1;
	p0 =	seq.s32 s7, s2  }
0x1e: {  	s7 =	smul.u32 @!p0 $0xF7A, s2;
	p2 =	seq.s32 @!p0 s5, $0x0  }
0x1f: {  	s9 =	smul.u32 $0xF7A, s1;
	s8 =	simm.s32 @!p0 $0x1BF5;
	p2 =	por !p2, p0  }
0x20: {  	[sflag:s8] =	ssyncset.s32 @!p0 $0xFFFFF086;
	s6 =	sadd.s32 @!p0 s3, s7;
	s7 =	simm.s32 @!p0 $0x108  }
0x21: {  	s3 =	sadd.s32 s3, s9;
	s6 =	sadd.s32 @!p0 $0x88, s6;
	s7 =	simm.s32 @p2 $0x1082  }
0x22: {  	[simem:s7], [sflag:s8] =	dma.local @!p0 [hbm:s6], $0xF7A  }
0x23: {  	s9 =	sor.u32 $0xD0000000, s2;
	s6 =	simm.s32 $0x108;
	_ =	swait.ge @!p0 [sflag:s8], $0x0  }
0x24: {  	s3 =	sadd.s32 $0x88, s3;
	s6 =	simm.s32 @!p1 $0x1082;
	[sflag:s4] =	ssyncset.s32 $0xFFFFF086  }
0x25: {  	[simem:s6], [sflag:s4] =	dma.local [hbm:s3], $0xF7A  }
0x26: {  	[smem:$0x3F94] =	sst s1;
	(tag) =	ssettag s2;
	_ =	strace s9  }
0x27: {  	s1 =	sld [smem:$0x3FA4]  }
0x28: {  	s2 =	sld [smem:$0x3FA5]  }
0x29: {  	s4 =	sld [smem:$0x3FA7]  }
0x2a: {  	p0 =	seq.s32 s5, $0x0;
	s5 =	sld [smem:$0x3FA8]  }
0x2b: {  	s6 =	sld [smem:$0x3FA9]  }
0x2c: {  	s7 =	sld [smem:$0x3FAA]  }
0x2d: {  	s3 =	simm.s32 $0x108;
	s8 =	sld [smem:$0x3FAB]  }
0x2e: {  	s3 =	simm.s32 @!p0 $0x1082;
	s9 =	sld [smem:$0x3FAC]  }
0x2f: {  	lr =	sadd.s32 s0, s3;
	s0 =	sld [smem:$0x3FA3]  }
0x30: {  	s3 =	sld [smem:$0x3FA6]  }
0x31: {  	[smem:$0x3FAF] =	sst s10  }
0x32: {  	s10 =	sld [smem:$0x3FAD];
	_ =	sdelay $0x3  }
0x33: {  	p0 =	seq.s32 s10, $0x1;
	s10 =	sld [smem:$0x3FAF];
	_ =	sdelay $0x3  }
0x34: {  	[smem:$0x3FAF] =	sst s10  }
0x35: {  	s10 =	sld [smem:$0x3FAE];
	_ =	sdelay $0x3  }
0x36: {  	p1 =	seq.s32 s10, $0x1;
	s10 =	sld [smem:$0x3FAF];
	_ =	sdelay $0x3  }
0x37: {  	[smem:$0x3FAF] =	sst s10  }
0x38: {  	s10 =	sld [smem:$0x3FB0]  }
0x39: {  	_ = 	snop;
	(pc) =	sbr.ind lr, $3  }
0x3a: {  	_ = 	snop  }
0x3b: {  	_ = 	snop  }
0x3c: {  	p2 =	seq.s32 s10, $0x1;
	s10 =	sld [smem:$0x3FAF]  }
0x3d: {  	_ =	shalt  }
0x3e: {  	_ =	shalt  }
0x3f: {  	_ =	shalt  }
0x40: {  	_ =	shalt  }
0x41: {  	_ =	shalt  }
0x42: {  	_ =	shalt  }
0x43: {  	_ =	shalt  }
0x44: {  	_ =	shalt  }
0x45: {  	_ =	shalt  }
0x46: {  	_ =	shalt  }
0x47: {  	_ =	shalt  }
0x48: {  	_ =	shalt  }
0x49: {  	_ =	shalt  }
0x4a: {  	_ =	shalt  }
0x4b: {  	_ =	shalt  }
0x4c: {  	_ =	shalt  }
0x4d: {  	_ =	shalt  }
0x4e: {  	_ =	shalt  }
0x4f: {  	_ =	shalt  }
0x50: {  	_ =	shalt  }
0x51: {  	_ =	shalt  }
0x52: {  	_ =	shalt  }
0x53: {  	_ =	shalt  }
0x54: {  	_ =	shalt  }
0x55: {  	_ =	shalt  }
0x56: {  	_ =	shalt  }
0x57: {  	_ =	shalt  }
0x58: {  	_ =	shalt  }
0x59: {  	_ =	shalt  }
0x5a: {  	_ =	shalt  }
0x5b: {  	_ =	shalt  }
0x5c: {  	_ =	shalt  }
0x5d: {  	_ =	shalt  }
0x5e: {  	_ =	shalt  }
0x5f: {  	_ =	shalt  }
0x60: {  	_ =	shalt  }
0x61: {  	_ =	shalt  }
0x62: {  	_ =	shalt  }
0x63: {  	_ =	shalt  }
0x64: {  	_ =	shalt  }
0x65: {  	_ =	shalt  }
0x66: {  	_ =	shalt  }
0x67: {  	_ =	shalt  }
0x68: {  	_ =	shalt  }
0x69: {  	_ =	shalt  }
0x6a: {  	_ =	shalt  }
0x6b: {  	_ =	shalt  }
0x6c: {  	_ =	shalt  }
0x6d: {  	_ =	shalt  }
0x6e: {  	_ =	shalt  }
0x6f: {  	_ =	shalt  }
0x70: {  	_ =	shalt  }
0x71: {  	_ =	shalt  }
0x72: {  	_ =	shalt  }
0x73: {  	_ =	shalt  }
0x74: {  	_ =	shalt  }
0x75: {  	_ =	shalt  }
0x76: {  	_ =	shalt  }
0x77: {  	_ =	shalt  }
0x78: {  	_ =	shalt  }
0x79: {  	_ =	shalt  }
0x7a: {  	_ =	shalt  }
0x7b: {  	_ =	shalt  }
0x7c: {  	_ =	shalt  }
0x7d: {  	_ =	shalt  }
0x7e: {  	_ =	shalt  }
0x7f: {  	_ =	shalt  }
0x80: {  	_ =	shalt  }
0x81: {  	_ =	shalt  }
0x82: {  	_ =	shalt  }
0x83: {  	_ =	shalt  }
0x84: {  	_ =	shalt  }
0x85: {  	_ =	shalt  }
0x86: {  	_ =	shalt  }
0x87: {  	_ =	shalt  }
.Lfunc_end0:
.L_simem_size_0:
called_computation.1_lowered:
.L_overlay_start_0:
0x88: {  	s2 =	sld [smem:$0x3FD9]  }
0x89: {  	s3 =	sld [smem:$0x3FFE];
	_ =	sdelay $0x1  }
0x8a: {  	s1 =	srdreg.scid  }
0x8b: {  	s0 =	sand.u32 $0x1, s1  }
0x8c: {  	s17 =	sshll.u32 s0, $0xA;
	s2 =	sadd.s32 s3, s2  }
0x8d: {  	s2 =	sadd.s32 s2, s17  }
0x8e: {  	[smem:$0x3FBB] =	sst s2  }
0x8f: {  	_ = 	snop  }
0x90: {  	s2 =	sld [smem:$0x3FD0];
	(tm) =	ssettm $0x1  }
0x91: {  	s18 =	sld [smem:$0x3FFB];
	_ =	sdelay $0x3  }
0x92: {  	_ =	strace s18  }
0x93: {  	s3 =	sld [smem:$0x3FFC];
	_ =	sdelay $0x3  }
0x94: {  	_ =	strace s3  }
0x95: {  	s3 =	sld [smem:$0x3FFD];
	_ =	sdelay $0x3  }
0x96: {  	_ =	strace s3  }
0x97: {  	_ =	strace $0x8FFFFFFF  }
0x98: {  	s19 =	sld [smem:$0x3FDB];
	_ =	sdelay $0x1  }
0x99: {  	s4 =	simm.s32 $_scs_section_size  }
0x9a: {  	s5 =	simm.s32 $_size__tile_overlayer_lowered;
	s6 =	simm.s32 $_tile_overlayer_lowered  }
0x9b: {  	s22 =	simm.s32 $0x1BFF;
	s21 =	sshll.u32 s6, $0x1;
	s3 =	sadd.s32 s4, s19  }
0x9c: {  	s7 =	simm.s32 $0x0;
	s20 =	sshll.u32 s5, $0x1;
	s5 =	sadd.s32 s21, s3  }
0x9d: {  	[timem:s7], [sflag:s22] =	dma.local [hbm:s5], s20  }
0x9e: {  	_ =	swait.ge [sflag:s22], s20  }
0x9f: {  	s4 =	ssub.s32 $0x0, s20;
	[sflag:s22] =	ssyncset.done $0x0  }
0xa0: {  	[sflag:s22] =	ssyncadd.s32 s4;
	_ =	sdelay $0x1  }
0xa1: {  	s23 =	simm.s32 $0x1B8B  }
0xa2: {  	_ =	swait.ge [sflag:s23], $0x1  }
0xa3: {  	[sflag:s23] =	ssyncset.done $0x0  }
0xa4: {  	s25 =	simm.s32 $0x1B8E;
	s24 =	sld [smem:$0x3FFE];
	[sflag:s23] =	ssyncadd.s32 $0xFFFFFFFF  }
0xa5: {  	s26 =	simm.s32 $execute0_lowered;
	[smem:$0x3FD2] =	sst s25  }
0xa6: {  	s5 =	sshll.u32 s26, $0x1;
	_ =	strace $0x80000049;
	[dreg:$0x1] =	wrdreg $0xFFFFFFFF  }
0xa7: {  	s28 =	simm.s32 $_size_execute0_lowered;
	s3 =	sadd.s32 s3, s5;
	[dreg:$0x0] =	wrdreg $0x0  }
0xa8: {  	s5 =	sshll.u32 s28, $0x1;
	[dreg:$0x2] =	wrdreg s3  }
0xa9: {  	[dreg:$0x3] =	wrdreg s5  }
0xaa: {  	[dreg:$0x4] =	wrdreg $0xC0  }
0xab: {  	_ =	task [dreg:s7], $0x5FFFF  }
0xac: {  	[dreg:$0x1] =	wrdreg $0xFFFFFFFF  }
0xad: {  	[dreg:$0x0] =	wrdreg $0x60  }
0xae: {  	[dreg:$0x2] =	wrdreg s24  }
0xaf: {  	[dreg:$0x3] =	wrdreg s2  }
0xb0: {  	[dreg:$0x4] =	wrdreg $0x7B200  }
0xb1: {  	[dreg:$0x5] =	wrdreg $0x9  }
0xb2: {  	_ =	task.clear_ibuf [dreg:s7], $0x6FFFF;
	_ =	strace $0x90000049  }
0xb3: {  	s29 =	simm.s32 $0x9;
	_ =	strace $0x8000004B  }
0xb4: {  	_ =	swait.ge [sflag:s29], $0x1  }
0xb5: {  	[sflag:s29] =	ssyncadd.s32 $0xFFFFFFFF  }
0xb6: {  	_ =	strace $0x9000004B  }
0xb7: {  	_ =	sfence  }
0xb8: {  	s30 =	sld [smem:$0x0];
	_ =	sdelay $0x2  }
0xb9: {  	s31 =	sshll.u32 s1, $0xD;
	s1 =	sshrl.u32 s1, $0x2  }
0xba: {  	s3 =	sand.u32 $0x4000, s31;
	s1 =	sadd.s32 s1, s30  }
0xbb: {  	s0 =	sor.u32 s3, s0;
	s1 =	sshll.u32 s1, $0x11  }
0xbc: {  	s0 =	sor.u32 s1, s0  }
0xbd: {  	s0 =	sadd.s32 $0x8F2B, s0  }
0xbe: {  	[sflag:s0] =	ssyncadd.remote.s32 $0x1  }
0xbf: {  	_ =	sfence.sel $0xFFFF  }
0xc0: {  	[dreg:$0x0] =	wrdreg $0xFFFFFFFF;
	(pc) =	sbr.abs _section_cstart, $3  }
0xc1: {  	[dreg:$0x1] =	wrdreg $0xFFFFFFFF  }
0xc2: {  	_ =	task.clear_ibuf [dreg:s7], $0x2FFFF;
	_ =	strace $0x9FFFFFFF  }
0xc3: {  	(tm) =	ssettm $0x7FFFFFFF  }
tec
execute0_lowered:
.L_overlay_start_1:
0x0: {  	(tag) =	ssettag $0x1  }
0x1: {  	s4 =	rddreg [dreg:$0x0]  }
0x2: {  	s7 =	rddreg [dreg:$0x1]  }
0x3: {  	s2 =	rddreg [dreg:$0x2]  }
0x4: {  	s0 =	srdreg.scid;
	s1 =	rddreg [dreg:$0x3]  }
0x5: {  	s3 =	simm.s32 $0x0;
	s13 =	simm.s32 $0x120;
	s5 =	sand.u32 $0x1, s0  }
0x6: {  	s14 =	simm.s32 $0x4E20;
	s0 =	stileid.u32;
	s6 =	smul.u32 $0x90, s5  }
0x7: {  	s15 =	simm.s32 $0x50;
	s16 =	simm.s32 $0x2;
	s8 =	smul.u32 $0x57E400, s0  }
0x8: {  	s17 =	simm.s32 $0x24;
	s18 =	simm.s32 $0x12;
	s9 =	smul.u32 $0x4E20, s0  }
0x9: {  	s19 =	simm.s32 $0x0;
	[smem:$0x7FF] =	sst s3;
	s26 =	smul.u32 $0x58E00, s0  }
0xa: {  	_ =	strace $0x8000004A;
	s5 =	ssub.s32 $0x2, s5;
	s11 =	smul.u32 $0x2C700, s0  }
0xb: {  	s30 =	sshll.u32 s0, $0x6;
	s12 =	sshrl.u32 s5, $0x1;
	s8 =	sor.u32 s6, s8  }
0xc: {  	s9 =	sshrl.u32 s9, $0x3;
	s12 =	ssub.s32 s5, s12;
	s28 =	sshrl.u32 s26, $0x2  }
0xd: {  	s6 =	sor.u32 s6, s11;
	s5 =	sor.u32 $0x1C01, s30;
	s11 =	simm.s32 $0x1  }
0xe: {  	s8 =	sshrl.u32 s8, $0x3;
	s9 =	sadd.s32 s9, s4;
	s29 =	sadd.s32 s28, s2  }
0xf: {  	s31 =	sshrl.u32 s6, $0x3;
	s10 =	sadd.s32 s8, s4;
	s4 =	sadd.s32 $0x1800, s4  }
0x10: {  	s6 =	sadd.s32 $0xB600, s9;
	s7 =	sadd.s32 s7, s31;
	s8 =	smax.u32 s12, $0x1  }
0x11: {  	s12 =	simm.s32 $0x90;
	s9 =	sadd.s32 $0x15400, s10;
	s10 =	sshrl.u32 s29, $0x3  }
.LBB2_1:
0x12: {  	[spmem:s10], [sflag:s5] =	dma.local [hbm:s4], $0x2C70  }
0x13: {  	_ =	swait.ge [sflag:s11], $0x2C70  }
0x14: {  	[sflag:s11] =	ssyncset.done $0x0  }
0x15: {  	[sflag:s11] =	ssyncadd.s32 $0xFFFFD390  }
0x16: {  	[tilespmem:s3], [sflag:$0x1] =	stream.linear.gather [hbm4b:s6+s3], $0x4E20, $0x38;
	[tilespmem:$0x1DEA0] =	vst v63  }
0x17: {  	_ =	swait.ge [sflag:s11], $0x4E20  }
0x18: {  	[sflag:s11] =	ssyncset.done $0x0  }
0x19: {  	[sflag:s11] =	ssyncadd.s32 $0xFFFFB1E0  }
0x1a: {  	[bflag:$0x0] =	sbarrier.arrive $0xFFFF  }
0x1b: {  	[tilespmem:s14], [sflag:$0x1] =	stream.strided.gather [hbm4b:s9+s12], $0x2D00, s13, s12, $0x38;
	[tilespmem:$0x1DEA0] =	vst v63  }
0x1c: {  	_ =	swait.ge [sflag:s11], $0x2D00  }
0x1d: {  	[sflag:s11] =	ssyncset.done $0x0  }
0x1e: {  	s20 =	simm.s32 $0x0;
	[sflag:s11] =	ssyncadd.s32 $0xFFFFD300  }
0x1f: {  	[spmem:s2] =	stream.indirect.scatter.add.f32 [tilespmem:s14], [sflag:$0x1], $0x90, s20, s15, $0xb8;
	[tilespmem:$0x1DEA0] =	vst v63  }
0x20: {  	_ =	swait.ge [sflag:s11], $0x2D00  }
0x21: {  	s21 =	smov.u32 s9;
	s20 =	simm.s32 $0x140;
	[sflag:s11] =	ssyncset.done $0x0  }
.LBB2_2:
0x22: {  	p0 =	sne.s32 s20, $0x13740;
	[sflag:s11] =	ssyncadd.s32 $0xFFFFD300;
	s21 =	sadd.s32 $0xB40, s21  }
0x23: {  	[tilespmem:s14], [sflag:$0x1] =	stream.strided.gather [hbm4b:s21+s12], $0x2D00, s13, s12, $0x38;
	[tilespmem:$0x1DEA0] =	vst v63  }
0x24: {  	s22 =	smov.u32 s20;
	s20 =	sadd.s32 $0x140, s20;
	_ =	swait.ge [sflag:s11], $0x2D00  }
.Ltmp0:
0x25: {  	[sflag:s11] =	ssyncset.done $0x0;
	(pc) =	sbr.rel @p0 .LBB2_2-.Ltmp0, $4  }
0x26: {  	s22 =	sshra.s32 s22, $0x2;
	[sflag:s11] =	ssyncadd.s32 $0xFFFFD300  }
0x27: {  	[spmem:s2] =	stream.indirect.scatter.add.f32 [tilespmem:s14], [sflag:$0x1], $0x90, s22, s15, $0xb8;
	[tilespmem:$0x1DEA0] =	vst v63  }
0x28: {  	_ =	swait.ge [sflag:s11], $0x2D00  }
0x29: {  	[sflag:s11] =	ssyncset.done $0x0  }
0x2a: {  	s19 =	sadd.s32 $0x1, s19  }
0x2b: {  	[sflag:s11] =	ssyncadd.s32 $0xFFFFD300;
	p0 =	sne.s32 s19, s8  }
.Ltmp1:
0x2c: {  	[bflag:$0x0] =	sbarrier.arrive $0xFFFF;
	(pc) =	sbr.rel @p0 .LBB2_1-.Ltmp1, $4  }
0x2d: {  	[hbm:s7@s17], [sflag:s5] =	dma.strided [spmem:s10@s18], $0x2C70, s16, $0x9   }
0x2e: {  	_ =	swait.ge [sflag:s11], $0x2C70  }
0x2f: {  	[sflag:s11] =	ssyncset.done $0x0  }
0x30: {  	[sflag:s11] =	ssyncadd.s32 $0xFFFFD390  }
0x31: {  	_ =	sfence.sel $0x180000  }
0x32: {  	[bflag:$0x0] =	sbarrier.arrive $0xFFFF  }
0x33: {  	p0 =	sne.s32 s0, $0x0;
	_ =	strace $0x9000004A  }
0x34: {  	s0 =	sadd.s32 @!p0 $0x100000, s1;
	[bflag:$0x2] =	sbarrier.arrive $0xFFFF  }
0x35: {  	[sflag:s0] =	ssyncadd.tile.s32 @!p0 $0x1;
	_ =	shalt  }
.Lfunc_end2:
_tile_overlayer_lowered:
.L_overlay_start_2:
0x36: {  	(tag) =	ssettag $0x2  }
0x37: {  	s0 =	rddreg [dreg:$0x0];
	s2 =	stileid.u32  }
0x38: {  	s1 =	rddreg [dreg:$0x1];
	p0 =	sne.s32 s2, $0x0  }
0x39: {  	s3 =	rddreg [dreg:$0x2];
	[bflag:$0x3] =	sbarrier.arrive $0xFFFF;
	s2 =	simm.s32 @!p0 $0x1C01  }
0x3a: {  	[timem:s3], [sflag:s2] =	dma.local @!p0 [hbm:s0], s1  }
0x3b: {  	s0 =	simm.s32 @!p0 $0x1  }
0x3c: {  	_ =	swait.ge @!p0 [sflag:s0], s1  }
0x3d: {  	s1 =	ssub.s32 @!p0 $0x0, s1;
	[sflag:s0] =	ssyncset.done @!p0 $0x0  }
0x3e: {  	[sflag:s0] =	ssyncadd.s32 @!p0 s1  }
0x3f: {  	[bflag:$0x3] =	sbarrier.arrive $0xFFFF  }
0x40: {  	_ =	shalt  }

// kernel: kernel.7.cloned.1.call-start
scs
__scs_entry_jumppad:
0x0: {  	(pc) =	sbr.rel $0x88, $3  }
0x1: {  	(tag) =	ssettag $0x0;
	lr =	simm.s32 $0x1  }
0x2: {  	[smem:$0x3F94] =	sst lr;
	_ =	strace $0xD0000000  }
0x3: {  	_ = 	snop  }
0x4: {  	_ = 	snop  }
0x5: {  	_ = 	snop  }
0x6: {  	_ = 	snop  }
0x7: {  	_ = 	snop  }
__scs_overlays_trampoline_lowered:
0x8: {  	[smem:$0x3FA3] =	sst s0  }
0x9: {  	[smem:$0x3FA4] =	sst s1  }
0xa: {  	[smem:$0x3FA5] =	sst s2  }
0xb: {  	[smem:$0x3FA6] =	sst s3  }
0xc: {  	[smem:$0x3FA7] =	sst s4  }
0xd: {  	[smem:$0x3FA8] =	sst s5  }
0xe: {  	[smem:$0x3FA9] =	sst s6  }
0xf: {  	[smem:$0x3FAA] =	sst s7  }
0x10: {  	[smem:$0x3FAB] =	sst s8  }
0x11: {  	[smem:$0x3FAC] =	sst s9;
	s0 =	simm.s32 @!p0 $0x0  }
0x12: {  	s1 =	sld [smem:$0x3F92];
	s0 =	simm.s32 @p0 $0x1  }
0x13: {  	[smem:$0x3FAD] =	sst s0;
	s0 =	simm.s32 @!p1 $0x0  }
0x14: {  	s2 =	sld [smem:$0x3F91];
	s0 =	simm.s32 @p1 $0x1  }
0x15: {  	[smem:$0x3FAE] =	sst s0;
	s0 =	simm.s32 @!p2 $0x0  }
0x16: {  	s3 =	sld [smem:$0x3FDB];
	s0 =	simm.s32 @p2 $0x1  }
0x17: {  	s4 =	simm.s32 $0x1BF5;
	[smem:$0x3FB0] =	sst s0  }
0x18: {  	s0 =	sld [smem:$0x3F93];
	_ =	swait.ge [sflag:s4], $0x0  }
0x19: {  	s7 =	sld [smem:$0x3F94]  }
0x1a: {  	s8 =	sadd.s32 $0xFFFFE003, lr  }
0x1b: {  	s9 =	sadd.s32 $0xFFFFFEF7, lr;
	s5 =	simm.s32 $0xFFFFFFFF;
	p2 =	slt.u32 s8, $0xFFFFF086  }
0x1c: {  	p1 =	slt.u32 s9, $0xF7A;
	s5 =	simm.s32 @!p2 $0x0  }
0x1d: {  	s5 =	simm.s32 @p1 $0x1;
	p0 =	seq.s32 s7, s2  }
0x1e: {  	s7 =	smul.u32 @!p0 $0xF7A, s2;
	p2 =	seq.s32 @!p0 s5, $0x0  }
0x1f: {  	s9 =	smul.u32 $0xF7A, s1;
	s8 =	simm.s32 @!p0 $0x1BF5;
	p2 =	por !p2, p0  }
0x20: {  	[sflag:s8] =	ssyncset.s32 @!p0 $0xFFFFF086;
	s6 =	sadd.s32 @!p0 s3, s7;
	s7 =	simm.s32 @!p0 $0x108  }
0x21: {  	s3 =	sadd.s32 s3, s9;
	s6 =	sadd.s32 @!p0 $0x88, s6;
	s7 =	simm.s32 @p2 $0x1082  }
0x22: {  	[simem:s7], [sflag:s8] =	dma.local @!p0 [hbm:s6], $0xF7A  }
0x23: {  	s9 =	sor.u32 $0xD0000000, s2;
	s6 =	simm.s32 $0x108;
	_ =	swait.ge @!p0 [sflag:s8], $0x0  }
0x24: {  	s3 =	sadd.s32 $0x88, s3;
	s6 =	simm.s32 @!p1 $0x1082;
	[sflag:s4] =	ssyncset.s32 $0xFFFFF086  }
0x25: {  	[simem:s6], [sflag:s4] =	dma.local [hbm:s3], $0xF7A  }
0x26: {  	[smem:$0x3F94] =	sst s1;
	(tag) =	ssettag s2;
	_ =	strace s9  }
0x27: {  	s1 =	sld [smem:$0x3FA4]  }
0x28: {  	s2 =	sld [smem:$0x3FA5]  }
0x29: {  	s4 =	sld [smem:$0x3FA7]  }
0x2a: {  	p0 =	seq.s32 s5, $0x0;
	s5 =	sld [smem:$0x3FA8]  }
0x2b: {  	s6 =	sld [smem:$0x3FA9]  }
0x2c: {  	s7 =	sld [smem:$0x3FAA]  }
0x2d: {  	s3 =	simm.s32 $0x108;
	s8 =	sld [smem:$0x3FAB]  }
0x2e: {  	s3 =	simm.s32 @!p0 $0x1082;
	s9 =	sld [smem:$0x3FAC]  }
0x2f: {  	lr =	sadd.s32 s0, s3;
	s0 =	sld [smem:$0x3FA3]  }
0x30: {  	s3 =	sld [smem:$0x3FA6]  }
0x31: {  	[smem:$0x3FAF] =	sst s10  }
0x32: {  	s10 =	sld [smem:$0x3FAD];
	_ =	sdelay $0x3  }
0x33: {  	p0 =	seq.s32 s10, $0x1;
	s10 =	sld [smem:$0x3FAF];
	_ =	sdelay $0x3  }
0x34: {  	[smem:$0x3FAF] =	sst s10  }
0x35: {  	s10 =	sld [smem:$0x3FAE];
	_ =	sdelay $0x3  }
0x36: {  	p1 =	seq.s32 s10, $0x1;
	s10 =	sld [smem:$0x3FAF];
	_ =	sdelay $0x3  }
0x37: {  	[smem:$0x3FAF] =	sst s10  }
0x38: {  	s10 =	sld [smem:$0x3FB0]  }
0x39: {  	_ = 	snop;
	(pc) =	sbr.ind lr, $3  }
0x3a: {  	_ = 	snop  }
0x3b: {  	_ = 	snop  }
0x3c: {  	p2 =	seq.s32 s10, $0x1;
	s10 =	sld [smem:$0x3FAF]  }
0x3d: {  	_ =	shalt  }
0x3e: {  	_ =	shalt  }
0x3f: {  	_ =	shalt  }
0x40: {  	_ =	shalt  }
0x41: {  	_ =	shalt  }
0x42: {  	_ =	shalt  }
0x43: {  	_ =	shalt  }
0x44: {  	_ =	shalt  }
0x45: {  	_ =	shalt  }
0x46: {  	_ =	shalt  }
0x47: {  	_ =	shalt  }
0x48: {  	_ =	shalt  }
0x49: {  	_ =	shalt  }
0x4a: {  	_ =	shalt  }
0x4b: {  	_ =	shalt  }
0x4c: {  	_ =	shalt  }
0x4d: {  	_ =	shalt  }
0x4e: {  	_ =	shalt  }
0x4f: {  	_ =	shalt  }
0x50: {  	_ =	shalt  }
0x51: {  	_ =	shalt  }
0x52: {  	_ =	shalt  }
0x53: {  	_ =	shalt  }
0x54: {  	_ =	shalt  }
0x55: {  	_ =	shalt  }
0x56: {  	_ =	shalt  }
0x57: {  	_ =	shalt  }
0x58: {  	_ =	shalt  }
0x59: {  	_ =	shalt  }
0x5a: {  	_ =	shalt  }
0x5b: {  	_ =	shalt  }
0x5c: {  	_ =	shalt  }
0x5d: {  	_ =	shalt  }
0x5e: {  	_ =	shalt  }
0x5f: {  	_ =	shalt  }
0x60: {  	_ =	shalt  }
0x61: {  	_ =	shalt  }
0x62: {  	_ =	shalt  }
0x63: {  	_ =	shalt  }
0x64: {  	_ =	shalt  }
0x65: {  	_ =	shalt  }
0x66: {  	_ =	shalt  }
0x67: {  	_ =	shalt  }
0x68: {  	_ =	shalt  }
0x69: {  	_ =	shalt  }
0x6a: {  	_ =	shalt  }
0x6b: {  	_ =	shalt  }
0x6c: {  	_ =	shalt  }
0x6d: {  	_ =	shalt  }
0x6e: {  	_ =	shalt  }
0x6f: {  	_ =	shalt  }
0x70: {  	_ =	shalt  }
0x71: {  	_ =	shalt  }
0x72: {  	_ =	shalt  }
0x73: {  	_ =	shalt  }
0x74: {  	_ =	shalt  }
0x75: {  	_ =	shalt  }
0x76: {  	_ =	shalt  }
0x77: {  	_ =	shalt  }
0x78: {  	_ =	shalt  }
0x79: {  	_ =	shalt  }
0x7a: {  	_ =	shalt  }
0x7b: {  	_ =	shalt  }
0x7c: {  	_ =	shalt  }
0x7d: {  	_ =	shalt  }
0x7e: {  	_ =	shalt  }
0x7f: {  	_ =	shalt  }
0x80: {  	_ =	shalt  }
0x81: {  	_ =	shalt  }
0x82: {  	_ =	shalt  }
0x83: {  	_ =	shalt  }
0x84: {  	_ =	shalt  }
0x85: {  	_ =	shalt  }
0x86: {  	_ =	shalt  }
0x87: {  	_ =	shalt  }
.Lfunc_end0:
.L_simem_size_0:
called_computation_lowered:
.L_overlay_start_0:
0x88: {  	s2 =	sld [smem:$0x3FD9]  }
0x89: {  	s3 =	sld [smem:$0x3FFE];
	_ =	sdelay $0x1  }
0x8a: {  	s1 =	srdreg.scid  }
0x8b: {  	s0 =	sand.u32 $0x1, s1  }
0x8c: {  	s17 =	sshll.u32 s0, $0xA;
	s2 =	sadd.s32 s3, s2  }
0x8d: {  	s2 =	sadd.s32 s2, s17  }
0x8e: {  	[smem:$0x3FBB] =	sst s2  }
0x8f: {  	_ = 	snop  }
0x90: {  	s2 =	sld [smem:$0x3FD0];
	(tm) =	ssettm $0x1  }
0x91: {  	s18 =	sld [smem:$0x3FFB];
	_ =	sdelay $0x3  }
0x92: {  	_ =	strace s18  }
0x93: {  	s3 =	sld [smem:$0x3FFC];
	_ =	sdelay $0x3  }
0x94: {  	_ =	strace s3  }
0x95: {  	s3 =	sld [smem:$0x3FFD];
	_ =	sdelay $0x3  }
0x96: {  	_ =	strace s3  }
0x97: {  	_ =	strace $0x8FFFFFFF  }
0x98: {  	s19 =	sld [smem:$0x3FDB];
	_ =	sdelay $0x1  }
0x99: {  	s4 =	simm.s32 $_scs_section_size  }
0x9a: {  	s5 =	simm.s32 $_size__tile_overlayer_lowered;
	s6 =	simm.s32 $_tile_overlayer_lowered  }
0x9b: {  	s22 =	simm.s32 $0x1BFF;
	s21 =	sshll.u32 s6, $0x1;
	s3 =	sadd.s32 s4, s19  }
0x9c: {  	s7 =	simm.s32 $0x0;
	s20 =	sshll.u32 s5, $0x1;
	s5 =	sadd.s32 s21, s3  }
0x9d: {  	[timem:s7], [sflag:s22] =	dma.local [hbm:s5], s20  }
0x9e: {  	_ =	swait.ge [sflag:s22], s20  }
0x9f: {  	s4 =	ssub.s32 $0x0, s20;
	[sflag:s22] =	ssyncset.done $0x0  }
0xa0: {  	[sflag:s22] =	ssyncadd.s32 s4;
	_ =	sdelay $0x1  }
0xa1: {  	s23 =	simm.s32 $0x1B8B  }
0xa2: {  	_ =	swait.ge [sflag:s23], $0x1  }
0xa3: {  	[sflag:s23] =	ssyncset.done $0x0  }
0xa4: {  	s25 =	simm.s32 $0x1B8E;
	s24 =	sld [smem:$0x3FFE];
	[sflag:s23] =	ssyncadd.s32 $0xFFFFFFFF  }
0xa5: {  	s26 =	simm.s32 $execute0_lowered;
	[smem:$0x3FD2] =	sst s25  }
0xa6: {  	s5 =	sshll.u32 s26, $0x1;
	_ =	strace $0x80000046;
	[dreg:$0x1] =	wrdreg $0xFFFFFFFF  }
0xa7: {  	s28 =	simm.s32 $_size_execute0_lowered;
	s3 =	sadd.s32 s3, s5;
	[dreg:$0x0] =	wrdreg $0x0  }
0xa8: {  	s5 =	sshll.u32 s28, $0x1;
	[dreg:$0x2] =	wrdreg s3  }
0xa9: {  	[dreg:$0x3] =	wrdreg s5  }
0xaa: {  	[dreg:$0x4] =	wrdreg $0xC0  }
0xab: {  	_ =	task [dreg:s7], $0x5FFFF  }
0xac: {  	[dreg:$0x1] =	wrdreg $0xFFFFFFFF  }
0xad: {  	[dreg:$0x0] =	wrdreg $0x60  }
0xae: {  	[dreg:$0x2] =	wrdreg s2  }
0xaf: {  	[dreg:$0x3] =	wrdreg s24  }
0xb0: {  	[dreg:$0x4] =	wrdreg $0x9  }
0xb1: {  	_ =	task.clear_ibuf [dreg:s7], $0x5FFFF;
	_ =	strace $0x90000046  }
0xb2: {  	s29 =	simm.s32 $0x9;
	_ =	strace $0x80000048  }
0xb3: {  	_ =	swait.ge [sflag:s29], $0x1  }
0xb4: {  	[sflag:s29] =	ssyncadd.s32 $0xFFFFFFFF  }
0xb5: {  	_ =	strace $0x90000048  }
0xb6: {  	_ =	sfence  }
0xb7: {  	s30 =	sld [smem:$0x0];
	_ =	sdelay $0x2  }
0xb8: {  	s31 =	sshll.u32 s1, $0xD;
	s1 =	sshrl.u32 s1, $0x2  }
0xb9: {  	s3 =	sand.u32 $0x4000, s31;
	s1 =	sadd.s32 s1, s30  }
0xba: {  	s0 =	sor.u32 s3, s0;
	s1 =	sshll.u32 s1, $0x11  }
0xbb: {  	s0 =	sor.u32 s1, s0  }
0xbc: {  	s0 =	sadd.s32 $0x8F2B, s0  }
0xbd: {  	[sflag:s0] =	ssyncadd.remote.s32 $0x1  }
0xbe: {  	_ =	sfence.sel $0xFFFF  }
0xbf: {  	[dreg:$0x0] =	wrdreg $0xFFFFFFFF;
	(pc) =	sbr.abs _section_cstart, $3  }
0xc0: {  	[dreg:$0x1] =	wrdreg $0xFFFFFFFF  }
0xc1: {  	_ =	task.clear_ibuf [dreg:s7], $0x2FFFF;
	_ =	strace $0x9FFFFFFF  }
0xc2: {  	(tm) =	ssettm $0x7FFFFFFF  }
0xc3: {  	_ =	shalt  }
tec
execute0_lowered:
.L_overlay_start_1:
0x0: {  	(tag) =	ssettag $0x1  }
0x1: {  	s1 =	srdreg.scid;
	s2 =	rddreg [dreg:$0x0]  }
0x2: {  	s0 =	stileid.u32;
	s6 =	rddreg [dreg:$0x1];
	s3 =	simm.s32 $0x0  }
0x3: {  	s13 =	simm.s32 $0x4E20;
	s14 =	simm.s32 $0x1;
	s15 =	simm.s32 $0x5D20  }
0x4: {  	s16 =	simm.s32 $0x0;
	s5 =	sand.u32 $0x1, s1;
	s8 =	smul.u32 $0x1D4C0, s0  }
0x5: {  	s30 =	sshll.u32 s0, $0x1;
	s1 =	rddreg [dreg:$0x2];
	s9 =	smul.u32 $0x9C40, s0  }
0x6: {  	[smem:$0x7FF] =	sst s3;
	s4 =	sor.u32 s5, s30;
	s11 =	smul.u32 $0xEA60, s5  }
0x7: {  	_ =	strace $0x80000047;
	s10 =	ssub.s32 $0x2, s5;
	s12 =	smul.u32 $0x4E20, s5  }
0x8: {  	s4 =	smul.u32 $0x2710, s4;
	s8 =	sadd.s32 s8, s6;
	s31 =	sshrl.u32 s10, $0x1  }
0x9: {  	s9 =	sadd.s32 s9, s6;
	s10 =	ssub.s32 s10, s31;
	s8 =	sadd.s32 s11, s8  }
0xa: {  	s9 =	sadd.s32 s12, s9;
	s11 =	simm.s32 $0x2710;
	s7 =	sshrl.u32 s4, $0x3  }
0xb: {  	s12 =	simm.s32 $0x50;
	s4 =	sadd.s32 $0x15400, s6;
	s7 =	sadd.s32 s7, s6  }
0xc: {  	s8 =	sadd.s32 $0xB6800, s8;
	s9 =	sadd.s32 $0x1A400, s9;
	s5 =	sadd.s32 $0x1800, s7  }
0xd: {  	s6 =	sadd.s32 $0xB600, s7;
	s7 =	smax.u32 s10, $0x1;
	s10 =	simm.s32 $0x2  }
.LBB2_1:
0xe: {  	[tilespmem:s3], [sflag:$0x2] =	stream.linear.gather [hbm4b:s5+s3], $0x2710, $0x38;
	[tilespmem:$0x6220] =	vst v63  }
0xf: {  	_ =	swait.ge [sflag:s10], $0x2710  }
0x10: {  	[sflag:s10] =	ssyncset.done $0x0  }
0x11: {  	[sflag:s10] =	ssyncadd.s32 $0xFFFFD8F0  }
0x12: {  	[tilespmem:s11], [sflag:$0x2] =	stream.linear.gather [hbm4b:s6+s3], $0x2710, $0x38;
	[tilespmem:$0x6220] =	vst v63  }
0x13: {  	_ =	swait.ge [sflag:s10], $0x2710  }
0x14: {  	[sflag:s10] =	ssyncset.done $0x0  }
0x15: {  	s17 =	simm.s32 $0x0;
	[sflag:s10] =	ssyncadd.s32 $0xFFFFD8F0  }
0x16: {  	[tilespmem:s13], [sflag:$0x1] =	stream.indirect.gather [hbm4b:s2+s12], $0x30, s17, s12, $0xb8;
	[tilespmem:$0x6220] =	vst v63  }
0x17: {  	_ =	swait.ge [sflag:s14], $0xF00  }
0x18: {  	[sflag:s14] =	ssyncset.done $0x0  }
0x19: {  	[sflag:s14] =	ssyncadd.s32 $0xFFFFF100  }
0x1a: {  	[hbm4b:s8+s3] =	stream.linear.scatter [tilespmem:s13], [sflag:$0x2], $0xF00, $0x38;
	[tilespmem:$0x6220] =	vst v63  }
0x1b: {  	_ =	swait.ge [sflag:s10], $0xF00  }
0x1c: {  	[sflag:s10] =	ssyncset.done $0x0  }
0x1d: {  	s31 =	simm.s32 $0x2710;
	[sflag:s10] =	ssyncadd.s32 $0xFFFFF100  }
0x1e: {  	[tilespmem:s15], [sflag:$0x1] =	stream.indirect.gather [hbm4b:s4+s12], $0x10, s31, s12, $0xb8;
	[tilespmem:$0x6220] =	vst v63  }
0x1f: {  	_ =	swait.ge [sflag:s14], $0x500  }
0x20: {  	[sflag:s14] =	ssyncset.done $0x0  }
0x21: {  	[sflag:s14] =	ssyncadd.s32 $0xFFFFFB00  }
0x22: {  	[hbm4b:s9+s3] =	stream.linear.scatter [tilespmem:s15], [sflag:$0x2], $0x500, $0x38;
	[tilespmem:$0x6220] =	vst v63  }
0x23: {  	s19 =	simm.s32 $0x140;
	s20 =	simm.s32 $0x280;
	_ =	swait.ge [sflag:s10], $0x500  }
0x24: {  	s18 =	sadd.s32 $0x1E0, s8;
	s17 =	sadd.s32 $0xA0, s9;
	[sflag:s10] =	ssyncset.done $0x0  }
.LBB2_2:
0x25: {  	s21 =	sshra.s32 s19, $0x2  }
0x26: {  	[sflag:s10] =	ssyncadd.s32 $0xFFFFFB00;
	s19 =	smov.u32 s20;
	s22 =	sadd.s32 $0x140, s20  }
0x27: {  	[tilespmem:s13], [sflag:$0x1] =	stream.indirect.gather [hbm4b:s2+s12], $0x30, s21, s12, $0xb8;
	[tilespmem:$0x6220] =	vst v63  }
0x28: {  	p0 =	sne.s32 s20, $0x9B00;
	_ =	swait.ge [sflag:s14], $0xF00  }
0x29: {  	[sflag:s14] =	ssyncset.done $0x0  }
0x2a: {  	[sflag:s14] =	ssyncadd.s32 $0xFFFFF100  }
0x2b: {  	[hbm4b:s18+s3] =	stream.linear.scatter [tilespmem:s13], [sflag:$0x2], $0xF00, $0x38;
	[tilespmem:$0x6220] =	vst v63  }
0x2c: {  	_ =	swait.ge [sflag:s10], $0xF00  }
0x2d: {  	[sflag:s10] =	ssyncset.done $0x0  }
0x2e: {  	s20 =	sadd.s32 $0x2710, s21;
	[sflag:s10] =	ssyncadd.s32 $0xFFFFF100  }
0x2f: {  	[tilespmem:s15], [sflag:$0x1] =	stream.indirect.gather [hbm4b:s4+s12], $0x10, s20, s12, $0xb8;
	[tilespmem:$0x6220] =	vst v63  }
0x30: {  	_ =	swait.ge [sflag:s14], $0x500  }
.Ltmp0:
0x31: {  	[sflag:s14] =	ssyncset.done $0x0;
	(pc) =	sbr.rel @p0 .LBB2_2-.Ltmp0, $4  }
0x32: {  	[sflag:s14] =	ssyncadd.s32 $0xFFFFFB00  }
0x33: {  	[hbm4b:s17+s3] =	stream.linear.scatter [tilespmem:s15], [sflag:$0x2], $0x500, $0x38;
	[tilespmem:$0x6220] =	vst v63  }
0x34: {  	s18 =	sadd.s32 $0x1E0, s18;
	_ =	swait.ge [sflag:s10], $0x500  }
0x35: {  	s20 =	smov.u32 s22;
	s17 =	sadd.s32 $0xA0, s17;
	[sflag:s10] =	ssyncset.done $0x0  }
0x36: {  	s19 =	sshra.s32 s19, $0x2;
	[sflag:s10] =	ssyncadd.s32 $0xFFFFFB00  }
0x37: {  	[tilespmem:s13], [sflag:$0x1] =	stream.indirect.gather [hbm4b:s2+s12], $0x30, s19, s12, $0xb8;
	[tilespmem:$0x6220] =	vst v63  }
0x38: {  	_ =	swait.ge [sflag:s14], $0xF00  }
0x39: {  	[sflag:s14] =	ssyncset.done $0x0  }
0x3a: {  	[sflag:s14] =	ssyncadd.s32 $0xFFFFF100  }
0x3b: {  	[hbm4b:s18+s3] =	stream.linear.scatter [tilespmem:s13], [sflag:$0x2], $0xF00, $0x38;
	[tilespmem:$0x6220] =	vst v63  }
0x3c: {  	_ =	swait.ge [sflag:s10], $0xF00  }
0x3d: {  	[sflag:s10] =	ssyncset.done $0x0  }
0x3e: {  	s31 =	sadd.s32 $0x2710, s19;
	[sflag:s10] =	ssyncadd.s32 $0xFFFFF100  }
0x3f: {  	[tilespmem:s15], [sflag:$0x1] =	stream.indirect.gather [hbm4b:s4+s12], $0x10, s31, s12, $0xb8;
	[tilespmem:$0x6220] =	vst v63  }
0x40: {  	s16 =	sadd.s32 $0x1, s16;
	_ =	swait.ge [sflag:s14], $0x500  }
0x41: {  	p0 =	sne.s32 s16, s7;
	[sflag:s14] =	ssyncset.done $0x0  }
.Ltmp1:
0x42: {  	[sflag:s14] =	ssyncadd.s32 $0xFFFFFB00;
	(pc) =	sbr.rel @p0 .LBB2_1-.Ltmp1, $4  }
0x43: {  	[hbm4b:s17+s3] =	stream.linear.scatter [tilespmem:s15], [sflag:$0x2], $0x500, $0x38;
	[tilespmem:$0x6220] =	vst v63  }
0x44: {  	_ =	swait.ge [sflag:s10], $0x500  }
0x45: {  	[sflag:s10] =	ssyncset.done $0x0  }
0x46: {  	[sflag:s10] =	ssyncadd.s32 $0xFFFFFB00  }
0x47: {  	_ =	sfence.sel $0x180000  }
0x48: {  	[bflag:$0x0] =	sbarrier.arrive $0xFFFF  }
0x49: {  	p0 =	sne.s32 s0, $0x0;
	_ =	strace $0x90000047  }
0x4a: {  	s0 =	sadd.s32 @!p0 $0x100000, s1;
	[bflag:$0x2] =	sbarrier.arrive $0xFFFF  }
0x4b: {  	[sflag:s0] =	ssyncadd.tile.s32 @!p0 $0x1;
	_ =	shalt  }
.Lfunc_end2:
_tile_overlayer_lowered:
.L_overlay_start_2:
0x4c: {  	(tag) =	ssettag $0x2  }
0x4d: {  	s0 =	rddreg [dreg:$0x0];
	s2 =	stileid.u32  }
0x4e: {  	s1 =	rddreg [dreg:$0x1];
	p0 =	sne.s32 s2, $0x0  }
0x4f: {  	s3 =	rddreg [dreg:$0x2];
	[bflag:$0x3] =	sbarrier.arrive $0xFFFF;
	s2 =	simm.s32 @!p0 $0x1C02  }
0x50: {  	[timem:s3], [sflag:s2] =	dma.local @!p0 [hbm:s0], s1  }
0x51: {  	s0 =	simm.s32 @!p0 $0x2  }
0x52: {  	_ =	swait.ge @!p0 [sflag:s0], s1  }
0x53: {  	s1 =	ssub.s32 @!p0 $0x0, s1;
	[sflag:s0] =	ssyncset.done @!p0 $0x0  }
0x54: {  	[sflag:s0] =	ssyncadd.s32 @!p0 s1  }
0x55: {  	[bflag:$0x3] =	sbarrier.arrive $0xFFFF  }
0x56: {  	_ =	shalt  }

</sc_bundles>
